<compile_context>
chip_gen: v7x
topology: tpu7x:2x2x1
jax: 0.10.2.dev20260603
libtpu: 0.0.44.dev20260713+nightly
codegen_flags: <defaults>
</compile_context>

<pallas_src>
import functools

import jax
import jax.numpy as jnp
from jax import lax
from jax.experimental import pallas as pl
from jax.experimental.pallas import tpu as pltpu
from jax.experimental.pallas import tpu_sc as plsc

_D = 64
_DP = 128
_B = 4096 * 50
_NC = 2
_NS = 16
_NW = _NC * _NS
_B_PER_W = _B // _NW
_CHUNK = 400
_NCHUNK = _B_PER_W // _CHUNK

_mesh = plsc.VectorSubcoreMesh(core_axis_name="c", subcore_axis_name="s")


@functools.partial(
    pl.kernel,
    out_type=jax.ShapeDtypeStruct((_B, _DP), jnp.float32),
    mesh=_mesh,
    scratch_types=[
        pltpu.VMEM((_B_PER_W,), jnp.int32),
        pltpu.VMEM((_CHUNK, _DP), jnp.float32),
        pltpu.VMEM((_CHUNK, _DP), jnp.float32),
        pltpu.SemaphoreType.DMA,
        pltpu.SemaphoreType.DMA,
        pltpu.SemaphoreType.DMA,
        pltpu.SemaphoreType.DMA,
    ],
)
def _gather(seq_hbm, table_hbm, out_hbm, idx_v, rows0, rows1,
            gsem0, gsem1, ssem0, ssem1):
    wid = lax.axis_index("s") * _NC + lax.axis_index("c")
    base_w = wid * _B_PER_W
    rows = [rows0, rows1]
    gsems = [gsem0, gsem1]
    ssems = [ssem0, ssem1]

    pltpu.sync_copy(seq_hbm.at[pl.ds(base_w, _B_PER_W)], idx_v)

    gcopy = [None] * _NCHUNK
    scopy = [None] * _NCHUNK
    gcopy[0] = pltpu.async_copy(
        table_hbm.at[idx_v.at[pl.ds(0, _CHUNK)]], rows[0], gsems[0])
    for i in range(_NCHUNK):
        b = i % 2
        if i + 1 < _NCHUNK:
            nb = (i + 1) % 2
            if i >= 1:
                scopy[i - 1].wait()
            gcopy[i + 1] = pltpu.async_copy(
                table_hbm.at[idx_v.at[pl.ds((i + 1) * _CHUNK, _CHUNK)]],
                rows[nb], gsems[nb])
        gcopy[i].wait()
        scopy[i] = pltpu.async_copy(
            rows[b], out_hbm.at[pl.ds(base_w + i * _CHUNK, _CHUNK)], ssems[b])
    scopy[_NCHUNK - 2].wait()
    scopy[_NCHUNK - 1].wait()


def kernel(seq, W):
    flat = seq.reshape(-1).astype(jnp.int32)
    wp = jnp.pad(W, ((0, 0), (0, _DP - _D)))
    out = _gather(flat, wp)
    return out[:, :_D].reshape(seq.shape + (_D,))

# --- scband reference (transcript-rebuilt; emitter-appended) ---
"""Pipeline reference for scband-embedding-layer-22041772163382 (READ-ONLY COPY).

The authoritative reference and input builder live on the scoring server;
editing this copy changes nothing except your own understanding.
"""

import jax, jax.numpy as jnp
import numpy as np

VOCAB_SIZE = 1000000
EMB_SIZE = 64
BATCH = 4096
HIST_LEN = 50


def setup_inputs(seed: int = 0) -> dict:
    key = jax.random.key(seed)
    k_seq, k_w = jax.random.split(key)
    seq = jax.random.randint(k_seq, (BATCH, HIST_LEN), 0, VOCAB_SIZE, dtype=jnp.int64 if jax.config.jax_enable_x64 else jnp.int32)
    # variance_scaling initializer (fan_in, factor=2.0, truncated normal ~ approximated with normal*stddev)
    stddev = np.sqrt(2.0 / VOCAB_SIZE)
    W = jax.random.normal(k_w, (VOCAB_SIZE, EMB_SIZE), dtype=jnp.float32) * stddev
    return {"seq": seq, "W": W}


def reference(seq, W):
    # tf.nn.embedding_lookup(self._W, seq) with zero_foward=False (default path)
    emb = jnp.take(W, seq, axis=0)
    return emb

if __name__ == "__main__":
    import jax
    _d = setup_inputs()
    print(jax.jit(kernel)(*tuple(_d.values())))

</pallas_src>

<mosaic_0001>
#map = affine_map<(d0, d1) -> (0)>
#map1 = affine_map<(d0, d1) -> (0, 0)>
module attributes {stable_mosaic.version = 14 : i64} {
  func.func @_gather(%arg0: i32, %arg1: i32, %arg2: memref<204800xi32, #tpu.memory_space<hbm>>, %arg3: memref<1000000x128xf32, #tpu.memory_space<hbm>>, %arg4: memref<204800x128xf32, #tpu.memory_space<hbm>>, %arg5: memref<6400xi32, #tpu.memory_space<vmem>>, %arg6: memref<400x128xf32, #tpu.memory_space<vmem>>, %arg7: memref<400x128xf32, #tpu.memory_space<vmem>>, %arg8: memref<!tpu.dma_semaphore, #tpu.memory_space<semaphore_mem>>, %arg9: memref<!tpu.dma_semaphore, #tpu.memory_space<semaphore_mem>>, %arg10: memref<!tpu.dma_semaphore, #tpu.memory_space<semaphore_mem>>, %arg11: memref<!tpu.dma_semaphore, #tpu.memory_space<semaphore_mem>>) attributes {dimension_semantics = [#tpu.dimension_semantics<core_parallel>, #tpu.dimension_semantics<subcore_parallel>], iteration_bounds = array<i64: 2, 16>, scalar_prefetch = 0 : i64, scratch_operands = 7 : i64, tpu.core_type = #tpu.core_type<sc_vector_subcore>, window_params = [{transform_indices = #map}, {transform_indices = #map1}, {transform_indices = #map1}]} {
    %mul3A = arith.constant 2 : i32
    %mul3A_0 = arith.muli %arg1, %mul3A : i32
    %add3A = arith.addi %mul3A_0, %arg0 : i32
    %mul3A_1 = arith.constant 6400 : i32
    %mul3A_2 = arith.muli %add3A, %mul3A_1 : i32
    "tpu.region"() ({
      %run_scoped3A = tpu.sem_alloc : memref<!tpu.dma_semaphore, #tpu.memory_space<semaphore_mem>>
      %dma_start3A_321 = tpu.memref_slice %arg2[%mul3A_2] : memref<204800xi32, #tpu.memory_space<hbm>> -> memref<6400xi32, #tpu.memory_space<hbm>>
      %dma_start3A_322 = tpu.memref_slice %arg2[%mul3A_2] : memref<204800xi32, #tpu.memory_space<hbm>> -> memref<6400xi32, #tpu.memory_space<hbm>>
      tpu.enqueue_dma source(%dma_start3A_322 : memref<6400xi32, #tpu.memory_space<hbm>>) target(%arg5 : memref<6400xi32, #tpu.memory_space<vmem>>) target_semaphore(%run_scoped3A : memref<!tpu.dma_semaphore, #tpu.memory_space<semaphore_mem>>)
      %dma_wait3A_323 = tpu.memref_slice %arg2[%mul3A_2] : memref<204800xi32, #tpu.memory_space<hbm>> -> memref<6400xi32, #tpu.memory_space<hbm>>
      %dma_wait3A_324 = tpu.memref_slice %arg2[%mul3A_2] : memref<204800xi32, #tpu.memory_space<hbm>> -> memref<6400xi32, #tpu.memory_space<hbm>>
      tpu.wait_dma2 semaphore(%run_scoped3A : memref<!tpu.dma_semaphore, #tpu.memory_space<semaphore_mem>>) src(%dma_wait3A_324 : memref<6400xi32, #tpu.memory_space<hbm>>) dst(%arg5 : memref<6400xi32, #tpu.memory_space<vmem>>)
      tpu.yield
    }) : () -> ()
    %dma_start3A = arith.constant 0 : i32
    %dma_start3A_3 = tpu.memref_slice %arg5[%dma_start3A] : memref<6400xi32, #tpu.memory_space<vmem>> -> memref<400xi32, #tpu.memory_space<vmem>>
    %dma_start3A_4 = arith.constant 0 : i32
    %dma_start3A_5 = arith.constant 0 : i32
    %dma_start3A_6 = tpu.memref_slice %arg3[%dma_start3A_4, %dma_start3A_5] : memref<1000000x128xf32, #tpu.memory_space<hbm>> -> memref<1000000x128xf32, #tpu.memory_space<hbm>>
    tpu.enqueue_indirect_dma source(%dma_start3A_6 : memref<1000000x128xf32, #tpu.memory_space<hbm>>) target(%arg6 : memref<400x128xf32, #tpu.memory_space<vmem>>) offsets(%dma_start3A_3 : memref<400xi32, #tpu.memory_space<vmem>>) semaphore(%arg8 : memref<!tpu.dma_semaphore, #tpu.memory_space<semaphore_mem>>)
    %dma_start3A_7 = arith.constant 400 : i32
    %dma_start3A_8 = tpu.memref_slice %arg5[%dma_start3A_7] : memref<6400xi32, #tpu.memory_space<vmem>> -> memref<400xi32, #tpu.memory_space<vmem>>
    %dma_start3A_9 = arith.constant 0 : i32
    %dma_start3A_10 = arith.constant 0 : i32
    %dma_start3A_11 = tpu.memref_slice %arg3[%dma_start3A_9, %dma_start3A_10] : memref<1000000x128xf32, #tpu.memory_space<hbm>> -> memref<1000000x128xf32, #tpu.memory_space<hbm>>
    tpu.enqueue_indirect_dma source(%dma_start3A_11 : memref<1000000x128xf32, #tpu.memory_space<hbm>>) target(%arg7 : memref<400x128xf32, #tpu.memory_space<vmem>>) offsets(%dma_start3A_8 : memref<400xi32, #tpu.memory_space<vmem>>) semaphore(%arg9 : memref<!tpu.dma_semaphore, #tpu.memory_space<semaphore_mem>>)
    %dma_wait3A = arith.constant 0 : i32
    %dma_wait3A_12 = tpu.memref_slice %arg5[%dma_wait3A] : memref<6400xi32, #tpu.memory_space<vmem>> -> memref<400xi32, #tpu.memory_space<vmem>>
    %dma_wait3A_13 = arith.constant 0 : i32
    %dma_wait3A_14 = arith.constant 0 : i32
    %dma_wait3A_15 = tpu.memref_slice %arg3[%dma_wait3A_13, %dma_wait3A_14] : memref<1000000x128xf32, #tpu.memory_space<hbm>> -> memref<1000000x128xf32, #tpu.memory_space<hbm>>
    tpu.wait_indirect_dma semaphore(%arg8 : memref<!tpu.dma_semaphore, #tpu.memory_space<semaphore_mem>>) src(%dma_wait3A_15 : memref<1000000x128xf32, #tpu.memory_space<hbm>>) dst(%arg6 : memref<400x128xf32, #tpu.memory_space<vmem>>)
    %add3A_16 = arith.constant 0 : i32
    %add3A_17 = arith.addi %mul3A_2, %add3A_16 : i32
    %dma_start3A_18 = arith.constant 0 : i32
    %dma_start3A_19 = tpu.memref_slice %arg4[%add3A_17, %dma_start3A_18] : memref<204800x128xf32, #tpu.memory_space<hbm>> -> memref<400x128xf32, #tpu.memory_space<hbm>>
    %dma_start3A_20 = arith.constant 0 : i32
    %dma_start3A_21 = tpu.memref_slice %arg4[%add3A_17, %dma_start3A_20] : memref<204800x128xf32, #tpu.memory_space<hbm>> -> memref<400x128xf32, #tpu.memory_space<hbm>>
    tpu.enqueue_dma source(%arg6 : memref<400x128xf32, #tpu.memory_space<vmem>>) target(%dma_start3A_21 : memref<400x128xf32, #tpu.memory_space<hbm>>) target_semaphore(%arg10 : memref<!tpu.dma_semaphore, #tpu.memory_space<semaphore_mem>>)
    %dma_wait3A_22 = arith.constant 0 : i32
    %dma_wait3A_23 = tpu.memref_slice %arg4[%add3A_17, %dma_wait3A_22] : memref<204800x128xf32, #tpu.memory_space<hbm>> -> memref<400x128xf32, #tpu.memory_space<hbm>>
    %dma_wait3A_24 = arith.constant 0 : i32
    %dma_wait3A_25 = tpu.memref_slice %arg4[%add3A_17, %dma_wait3A_24] : memref<204800x128xf32, #tpu.memory_space<hbm>> -> memref<400x128xf32, #tpu.memory_space<hbm>>
    tpu.wait_dma2 semaphore(%arg10 : memref<!tpu.dma_semaphore, #tpu.memory_space<semaphore_mem>>) src(%arg6 : memref<400x128xf32, #tpu.memory_space<vmem>>) dst(%dma_wait3A_25 : memref<400x128xf32, #tpu.memory_space<hbm>>)
    %dma_start3A_26 = arith.constant 800 : i32
    %dma_start3A_27 = tpu.memref_slice %arg5[%dma_start3A_26] : memref<6400xi32, #tpu.memory_space<vmem>> -> memref<400xi32, #tpu.memory_space<vmem>>
    %dma_start3A_28 = arith.constant 0 : i32
    %dma_start3A_29 = arith.constant 0 : i32
    %dma_start3A_30 = tpu.memref_slice %arg3[%dma_start3A_28, %dma_start3A_29] : memref<1000000x128xf32, #tpu.memory_space<hbm>> -> memref<1000000x128xf32, #tpu.memory_space<hbm>>
    tpu.enqueue_indirect_dma source(%dma_start3A_30 : memref<1000000x128xf32, #tpu.memory_space<hbm>>) target(%arg6 : memref<400x128xf32, #tpu.memory_space<vmem>>) offsets(%dma_start3A_27 : memref<400xi32, #tpu.memory_space<vmem>>) semaphore(%arg8 : memref<!tpu.dma_semaphore, #tpu.memory_space<semaphore_mem>>)
    %dma_wait3A_31 = arith.constant 400 : i32
    %dma_wait3A_32 = tpu.memref_slice %arg5[%dma_wait3A_31] : memref<6400xi32, #tpu.memory_space<vmem>> -> memref<400xi32, #tpu.memory_space<vmem>>
    %dma_wait3A_33 = arith.constant 0 : i32
    %dma_wait3A_34 = arith.constant 0 : i32
    %dma_wait3A_35 = tpu.memref_slice %arg3[%dma_wait3A_33, %dma_wait3A_34] : memref<1000000x128xf32, #tpu.memory_space<hbm>> -> memref<1000000x128xf32, #tpu.memory_space<hbm>>
    tpu.wait_indirect_dma semaphore(%arg9 : memref<!tpu.dma_semaphore, #tpu.memory_space<semaphore_mem>>) src(%dma_wait3A_35 : memref<1000000x128xf32, #tpu.memory_space<hbm>>) dst(%arg7 : memref<400x128xf32, #tpu.memory_space<vmem>>)
    %add3A_36 = arith.constant 400 : i32
    %add3A_37 = arith.addi %mul3A_2, %add3A_36 : i32
    %dma_start3A_38 = arith.constant 0 : i32
    %dma_start3A_39 = tpu.memref_slice %arg4[%add3A_37, %dma_start3A_38] : memref<204800x128xf32, #tpu.memory_space<hbm>> -> memref<400x128xf32, #tpu.memory_space<hbm>>
    %dma_start3A_40 = arith.constant 0 : i32
    %dma_start3A_41 = tpu.memref_slice %arg4[%add3A_37, %dma_start3A_40] : memref<204800x128xf32, #tpu.memory_space<hbm>> -> memref<400x128xf32, #tpu.memory_space<hbm>>
    tpu.enqueue_dma source(%arg7 : memref<400x128xf32, #tpu.memory_space<vmem>>) target(%dma_start3A_41 : memref<400x128xf32, #tpu.memory_space<hbm>>) target_semaphore(%arg11 : memref<!tpu.dma_semaphore, #tpu.memory_space<semaphore_mem>>)
    %dma_wait3A_42 = arith.constant 0 : i32
    %dma_wait3A_43 = tpu.memref_slice %arg4[%add3A_37, %dma_wait3A_42] : memref<204800x128xf32, #tpu.memory_space<hbm>> -> memref<400x128xf32, #tpu.memory_space<hbm>>
    %dma_wait3A_44 = arith.constant 0 : i32
    %dma_wait3A_45 = tpu.memref_slice %arg4[%add3A_37, %dma_wait3A_44] : memref<204800x128xf32, #tpu.memory_space<hbm>> -> memref<400x128xf32, #tpu.memory_space<hbm>>
    tpu.wait_dma2 semaphore(%arg11 : memref<!tpu.dma_semaphore, #tpu.memory_space<semaphore_mem>>) src(%arg7 : memref<400x128xf32, #tpu.memory_space<vmem>>) dst(%dma_wait3A_45 : memref<400x128xf32, #tpu.memory_space<hbm>>)
    %dma_start3A_46 = arith.constant 1200 : i32
    %dma_start3A_47 = tpu.memref_slice %arg5[%dma_start3A_46] : memref<6400xi32, #tpu.memory_space<vmem>> -> memref<400xi32, #tpu.memory_space<vmem>>
    %dma_start3A_48 = arith.constant 0 : i32
    %dma_start3A_49 = arith.constant 0 : i32
    %dma_start3A_50 = tpu.memref_slice %arg3[%dma_start3A_48, %dma_start3A_49] : memref<1000000x128xf32, #tpu.memory_space<hbm>> -> memref<1000000x128xf32, #tpu.memory_space<hbm>>
    tpu.enqueue_indirect_dma source(%dma_start3A_50 : memref<1000000x128xf32, #tpu.memory_space<hbm>>) target(%arg7 : memref<400x128xf32, #tpu.memory_space<vmem>>) offsets(%dma_start3A_47 : memref<400xi32, #tpu.memory_space<vmem>>) semaphore(%arg9 : memref<!tpu.dma_semaphore, #tpu.memory_space<semaphore_mem>>)
    %dma_wait3A_51 = arith.constant 800 : i32
    %dma_wait3A_52 = tpu.memref_slice %arg5[%dma_wait3A_51] : memref<6400xi32, #tpu.memory_space<vmem>> -> memref<400xi32, #tpu.memory_space<vmem>>
    %dma_wait3A_53 = arith.constant 0 : i32
    %dma_wait3A_54 = arith.constant 0 : i32
    %dma_wait3A_55 = tpu.memref_slice %arg3[%dma_wait3A_53, %dma_wait3A_54] : memref<1000000x128xf32, #tpu.memory_space<hbm>> -> memref<1000000x128xf32, #tpu.memory_space<hbm>>
    tpu.wait_indirect_dma semaphore(%arg8 : memref<!tpu.dma_semaphore, #tpu.memory_space<semaphore_mem>>) src(%dma_wait3A_55 : memref<1000000x128xf32, #tpu.memory_space<hbm>>) dst(%arg6 : memref<400x128xf32, #tpu.memory_space<vmem>>)
    %add3A_56 = arith.constant 800 : i32
    %add3A_57 = arith.addi %mul3A_2, %add3A_56 : i32
    %dma_start3A_58 = arith.constant 0 : i32
    %dma_start3A_59 = tpu.memref_slice %arg4[%add3A_57, %dma_start3A_58] : memref<204800x128xf32, #tpu.memory_space<hbm>> -> memref<400x128xf32, #tpu.memory_space<hbm>>
    %dma_start3A_60 = arith.constant 0 : i32
    %dma_start3A_61 = tpu.memref_slice %arg4[%add3A_57, %dma_start3A_60] : memref<204800x128xf32, #tpu.memory_space<hbm>> -> memref<400x128xf32, #tpu.memory_space<hbm>>
    tpu.enqueue_dma source(%arg6 : memref<400x128xf32, #tpu.memory_space<vmem>>) target(%dma_start3A_61 : memref<400x128xf32, #tpu.memory_space<hbm>>) target_semaphore(%arg10 : memref<!tpu.dma_semaphore, #tpu.memory_space<semaphore_mem>>)
    %dma_wait3A_62 = arith.constant 0 : i32
    %dma_wait3A_63 = tpu.memref_slice %arg4[%add3A_57, %dma_wait3A_62] : memref<204800x128xf32, #tpu.memory_space<hbm>> -> memref<400x128xf32, #tpu.memory_space<hbm>>
    %dma_wait3A_64 = arith.constant 0 : i32
    %dma_wait3A_65 = tpu.memref_slice %arg4[%add3A_57, %dma_wait3A_64] : memref<204800x128xf32, #tpu.memory_space<hbm>> -> memref<400x128xf32, #tpu.memory_space<hbm>>
    tpu.wait_dma2 semaphore(%arg10 : memref<!tpu.dma_semaphore, #tpu.memory_space<semaphore_mem>>) src(%arg6 : memref<400x128xf32, #tpu.memory_space<vmem>>) dst(%dma_wait3A_65 : memref<400x128xf32, #tpu.memory_space<hbm>>)
    %dma_start3A_66 = arith.constant 1600 : i32
    %dma_start3A_67 = tpu.memref_slice %arg5[%dma_start3A_66] : memref<6400xi32, #tpu.memory_space<vmem>> -> memref<400xi32, #tpu.memory_space<vmem>>
    %dma_start3A_68 = arith.constant 0 : i32
    %dma_start3A_69 = arith.constant 0 : i32
    %dma_start3A_70 = tpu.memref_slice %arg3[%dma_start3A_68, %dma_start3A_69] : memref<1000000x128xf32, #tpu.memory_space<hbm>> -> memref<1000000x128xf32, #tpu.memory_space<hbm>>
    tpu.enqueue_indirect_dma source(%dma_start3A_70 : memref<1000000x128xf32, #tpu.memory_space<hbm>>) target(%arg6 : memref<400x128xf32, #tpu.memory_space<vmem>>) offsets(%dma_start3A_67 : memref<400xi32, #tpu.memory_space<vmem>>) semaphore(%arg8 : memref<!tpu.dma_semaphore, #tpu.memory_space<semaphore_mem>>)
    %dma_wait3A_71 = arith.constant 1200 : i32
    %dma_wait3A_72 = tpu.memref_slice %arg5[%dma_wait3A_71] : memref<6400xi32, #tpu.memory_space<vmem>> -> memref<400xi32, #tpu.memory_space<vmem>>
    %dma_wait3A_73 = arith.constant 0 : i32
    %dma_wait3A_74 = arith.constant 0 : i32
    %dma_wait3A_75 = tpu.memref_slice %arg3[%dma_wait3A_73, %dma_wait3A_74] : memref<1000000x128xf32, #tpu.memory_space<hbm>> -> memref<1000000x128xf32, #tpu.memory_space<hbm>>
    tpu.wait_indirect_dma semaphore(%arg9 : memref<!tpu.dma_semaphore, #tpu.memory_space<semaphore_mem>>) src(%dma_wait3A_75 : memref<1000000x128xf32, #tpu.memory_space<hbm>>) dst(%arg7 : memref<400x128xf32, #tpu.memory_space<vmem>>)
    %add3A_76 = arith.constant 1200 : i32
    %add3A_77 = arith.addi %mul3A_2, %add3A_76 : i32
    %dma_start3A_78 = arith.constant 0 : i32
    %dma_start3A_79 = tpu.memref_slice %arg4[%add3A_77, %dma_start3A_78] : memref<204800x128xf32, #tpu.memory_space<hbm>> -> memref<400x128xf32, #tpu.memory_space<hbm>>
    %dma_start3A_80 = arith.constant 0 : i32
    %dma_start3A_81 = tpu.memref_slice %arg4[%add3A_77, %dma_start3A_80] : memref<204800x128xf32, #tpu.memory_space<hbm>> -> memref<400x128xf32, #tpu.memory_space<hbm>>
    tpu.enqueue_dma source(%arg7 : memref<400x128xf32, #tpu.memory_space<vmem>>) target(%dma_start3A_81 : memref<400x128xf32, #tpu.memory_space<hbm>>) target_semaphore(%arg11 : memref<!tpu.dma_semaphore, #tpu.memory_space<semaphore_mem>>)
    %dma_wait3A_82 = arith.constant 0 : i32
    %dma_wait3A_83 = tpu.memref_slice %arg4[%add3A_77, %dma_wait3A_82] : memref<204800x128xf32, #tpu.memory_space<hbm>> -> memref<400x128xf32, #tpu.memory_space<hbm>>
    %dma_wait3A_84 = arith.constant 0 : i32
    %dma_wait3A_85 = tpu.memref_slice %arg4[%add3A_77, %dma_wait3A_84] : memref<204800x128xf32, #tpu.memory_space<hbm>> -> memref<400x128xf32, #tpu.memory_space<hbm>>
    tpu.wait_dma2 semaphore(%arg11 : memref<!tpu.dma_semaphore, #tpu.memory_space<semaphore_mem>>) src(%arg7 : memref<400x128xf32, #tpu.memory_space<vmem>>) dst(%dma_wait3A_85 : memref<400x128xf32, #tpu.memory_space<hbm>>)
    %dma_start3A_86 = arith.constant 2000 : i32
    %dma_start3A_87 = tpu.memref_slice %arg5[%dma_start3A_86] : memref<6400xi32, #tpu.memory_space<vmem>> -> memref<400xi32, #tpu.memory_space<vmem>>
    %dma_start3A_88 = arith.constant 0 : i32
    %dma_start3A_89 = arith.constant 0 : i32
    %dma_start3A_90 = tpu.memref_slice %arg3[%dma_start3A_88, %dma_start3A_89] : memref<1000000x128xf32, #tpu.memory_space<hbm>> -> memref<1000000x128xf32, #tpu.memory_space<hbm>>
    tpu.enqueue_indirect_dma source(%dma_start3A_90 : memref<1000000x128xf32, #tpu.memory_space<hbm>>) target(%arg7 : memref<400x128xf32, #tpu.memory_space<vmem>>) offsets(%dma_start3A_87 : memref<400xi32, #tpu.memory_space<vmem>>) semaphore(%arg9 : memref<!tpu.dma_semaphore, #tpu.memory_space<semaphore_mem>>)
    %dma_wait3A_91 = arith.constant 1600 : i32
    %dma_wait3A_92 = tpu.memref_slice %arg5[%dma_wait3A_91] : memref<6400xi32, #tpu.memory_space<vmem>> -> memref<400xi32, #tpu.memory_space<vmem>>
    %dma_wait3A_93 = arith.constant 0 : i32
    %dma_wait3A_94 = arith.constant 0 : i32
    %dma_wait3A_95 = tpu.memref_slice %arg3[%dma_wait3A_93, %dma_wait3A_94] : memref<1000000x128xf32, #tpu.memory_space<hbm>> -> memref<1000000x128xf32, #tpu.memory_space<hbm>>
    tpu.wait_indirect_dma semaphore(%arg8 : memref<!tpu.dma_semaphore, #tpu.memory_space<semaphore_mem>>) src(%dma_wait3A_95 : memref<1000000x128xf32, #tpu.memory_space<hbm>>) dst(%arg6 : memref<400x128xf32, #tpu.memory_space<vmem>>)
    %add3A_96 = arith.constant 1600 : i32
    %add3A_97 = arith.addi %mul3A_2, %add3A_96 : i32
    %dma_start3A_98 = arith.constant 0 : i32
    %dma_start3A_99 = tpu.memref_slice %arg4[%add3A_97, %dma_start3A_98] : memref<204800x128xf32, #tpu.memory_space<hbm>> -> memref<400x128xf32, #tpu.memory_space<hbm>>
    %dma_start3A_100 = arith.constant 0 : i32
    %dma_start3A_101 = tpu.memref_slice %arg4[%add3A_97, %dma_start3A_100] : memref<204800x128xf32, #tpu.memory_space<hbm>> -> memref<400x128xf32, #tpu.memory_space<hbm>>
    tpu.enqueue_dma source(%arg6 : memref<400x128xf32, #tpu.memory_space<vmem>>) target(%dma_start3A_101 : memref<400x128xf32, #tpu.memory_space<hbm>>) target_semaphore(%arg10 : memref<!tpu.dma_semaphore, #tpu.memory_space<semaphore_mem>>)
    %dma_wait3A_102 = arith.constant 0 : i32
    %dma_wait3A_103 = tpu.memref_slice %arg4[%add3A_97, %dma_wait3A_102] : memref<204800x128xf32, #tpu.memory_space<hbm>> -> memref<400x128xf32, #tpu.memory_space<hbm>>
    %dma_wait3A_104 = arith.constant 0 : i32
    %dma_wait3A_105 = tpu.memref_slice %arg4[%add3A_97, %dma_wait3A_104] : memref<204800x128xf32, #tpu.memory_space<hbm>> -> memref<400x128xf32, #tpu.memory_space<hbm>>
    tpu.wait_dma2 semaphore(%arg10 : memref<!tpu.dma_semaphore, #tpu.memory_space<semaphore_mem>>) src(%arg6 : memref<400x128xf32, #tpu.memory_space<vmem>>) dst(%dma_wait3A_105 : memref<400x128xf32, #tpu.memory_space<hbm>>)
    %dma_start3A_106 = arith.constant 2400 : i32
    %dma_start3A_107 = tpu.memref_slice %arg5[%dma_start3A_106] : memref<6400xi32, #tpu.memory_space<vmem>> -> memref<400xi32, #tpu.memory_space<vmem>>
    %dma_start3A_108 = arith.constant 0 : i32
    %dma_start3A_109 = arith.constant 0 : i32
    %dma_start3A_110 = tpu.memref_slice %arg3[%dma_start3A_108, %dma_start3A_109] : memref<1000000x128xf32, #tpu.memory_space<hbm>> -> memref<1000000x128xf32, #tpu.memory_space<hbm>>
    tpu.enqueue_indirect_dma source(%dma_start3A_110 : memref<1000000x128xf32, #tpu.memory_space<hbm>>) target(%arg6 : memref<400x128xf32, #tpu.memory_space<vmem>>) offsets(%dma_start3A_107 : memref<400xi32, #tpu.memory_space<vmem>>) semaphore(%arg8 : memref<!tpu.dma_semaphore, #tpu.memory_space<semaphore_mem>>)
    %dma_wait3A_111 = arith.constant 2000 : i32
    %dma_wait3A_112 = tpu.memref_slice %arg5[%dma_wait3A_111] : memref<6400xi32, #tpu.memory_space<vmem>> -> memref<400xi32, #tpu.memory_space<vmem>>
    %dma_wait3A_113 = arith.constant 0 : i32
    %dma_wait3A_114 = arith.constant 0 : i32
    %dma_wait3A_115 = tpu.memref_slice %arg3[%dma_wait3A_113, %dma_wait3A_114] : memref<1000000x128xf32, #tpu.memory_space<hbm>> -> memref<1000000x128xf32, #tpu.memory_space<hbm>>
    tpu.wait_indirect_dma semaphore(%arg9 : memref<!tpu.dma_semaphore, #tpu.memory_space<semaphore_mem>>) src(%dma_wait3A_115 : memref<1000000x128xf32, #tpu.memory_space<hbm>>) dst(%arg7 : memref<400x128xf32, #tpu.memory_space<vmem>>)
    %add3A_116 = arith.constant 2000 : i32
    %add3A_117 = arith.addi %mul3A_2, %add3A_116 : i32
    %dma_start3A_118 = arith.constant 0 : i32
    %dma_start3A_119 = tpu.memref_slice %arg4[%add3A_117, %dma_start3A_118] : memref<204800x128xf32, #tpu.memory_space<hbm>> -> memref<400x128xf32, #tpu.memory_space<hbm>>
    %dma_start3A_120 = arith.constant 0 : i32
    %dma_start3A_121 = tpu.memref_slice %arg4[%add3A_117, %dma_start3A_120] : memref<204800x128xf32, #tpu.memory_space<hbm>> -> memref<400x128xf32, #tpu.memory_space<hbm>>
    tpu.enqueue_dma source(%arg7 : memref<400x128xf32, #tpu.memory_space<vmem>>) target(%dma_start3A_121 : memref<400x128xf32, #tpu.memory_space<hbm>>) target_semaphore(%arg11 : memref<!tpu.dma_semaphore, #tpu.memory_space<semaphore_mem>>)
    %dma_wait3A_122 = arith.constant 0 : i32
    %dma_wait3A_123 = tpu.memref_slice %arg4[%add3A_117, %dma_wait3A_122] : memref<204800x128xf32, #tpu.memory_space<hbm>> -> memref<400x128xf32, #tpu.memory_space<hbm>>
    %dma_wait3A_124 = arith.constant 0 : i32
    %dma_wait3A_125 = tpu.memref_slice %arg4[%add3A_117, %dma_wait3A_124] : memref<204800x128xf32, #tpu.memory_space<hbm>> -> memref<400x128xf32, #tpu.memory_space<hbm>>
    tpu.wait_dma2 semaphore(%arg11 : memref<!tpu.dma_semaphore, #tpu.memory_space<semaphore_mem>>) src(%arg7 : memref<400x128xf32, #tpu.memory_space<vmem>>) dst(%dma_wait3A_125 : memref<400x128xf32, #tpu.memory_space<hbm>>)
    %dma_start3A_126 = arith.constant 2800 : i32
    %dma_start3A_127 = tpu.memref_slice %arg5[%dma_start3A_126] : memref<6400xi32, #tpu.memory_space<vmem>> -> memref<400xi32, #tpu.memory_space<vmem>>
    %dma_start3A_128 = arith.constant 0 : i32
    %dma_start3A_129 = arith.constant 0 : i32
    %dma_start3A_130 = tpu.memref_slice %arg3[%dma_start3A_128, %dma_start3A_129] : memref<1000000x128xf32, #tpu.memory_space<hbm>> -> memref<1000000x128xf32, #tpu.memory_space<hbm>>
    tpu.enqueue_indirect_dma source(%dma_start3A_130 : memref<1000000x128xf32, #tpu.memory_space<hbm>>) target(%arg7 : memref<400x128xf32, #tpu.memory_space<vmem>>) offsets(%dma_start3A_127 : memref<400xi32, #tpu.memory_space<vmem>>) semaphore(%arg9 : memref<!tpu.dma_semaphore, #tpu.memory_space<semaphore_mem>>)
    %dma_wait3A_131 = arith.constant 2400 : i32
    %dma_wait3A_132 = tpu.memref_slice %arg5[%dma_wait3A_131] : memref<6400xi32, #tpu.memory_space<vmem>> -> memref<400xi32, #tpu.memory_space<vmem>>
    %dma_wait3A_133 = arith.constant 0 : i32
    %dma_wait3A_134 = arith.constant 0 : i32
    %dma_wait3A_135 = tpu.memref_slice %arg3[%dma_wait3A_133, %dma_wait3A_134] : memref<1000000x128xf32, #tpu.memory_space<hbm>> -> memref<1000000x128xf32, #tpu.memory_space<hbm>>
    tpu.wait_indirect_dma semaphore(%arg8 : memref<!tpu.dma_semaphore, #tpu.memory_space<semaphore_mem>>) src(%dma_wait3A_135 : memref<1000000x128xf32, #tpu.memory_space<hbm>>) dst(%arg6 : memref<400x128xf32, #tpu.memory_space<vmem>>)
    %add3A_136 = arith.constant 2400 : i32
    %add3A_137 = arith.addi %mul3A_2, %add3A_136 : i32
    %dma_start3A_138 = arith.constant 0 : i32
    %dma_start3A_139 = tpu.memref_slice %arg4[%add3A_137, %dma_start3A_138] : memref<204800x128xf32, #tpu.memory_space<hbm>> -> memref<400x128xf32, #tpu.memory_space<hbm>>
    %dma_start3A_140 = arith.constant 0 : i32
    %dma_start3A_141 = tpu.memref_slice %arg4[%add3A_137, %dma_start3A_140] : memref<204800x128xf32, #tpu.memory_space<hbm>> -> memref<400x128xf32, #tpu.memory_space<hbm>>
    tpu.enqueue_dma source(%arg6 : memref<400x128xf32, #tpu.memory_space<vmem>>) target(%dma_start3A_141 : memref<400x128xf32, #tpu.memory_space<hbm>>) target_semaphore(%arg10 : memref<!tpu.dma_semaphore, #tpu.memory_space<semaphore_mem>>)
    %dma_wait3A_142 = arith.constant 0 : i32
    %dma_wait3A_143 = tpu.memref_slice %arg4[%add3A_137, %dma_wait3A_142] : memref<204800x128xf32, #tpu.memory_space<hbm>> -> memref<400x128xf32, #tpu.memory_space<hbm>>
    %dma_wait3A_144 = arith.constant 0 : i32
    %dma_wait3A_145 = tpu.memref_slice %arg4[%add3A_137, %dma_wait3A_144] : memref<204800x128xf32, #tpu.memory_space<hbm>> -> memref<400x128xf32, #tpu.memory_space<hbm>>
    tpu.wait_dma2 semaphore(%arg10 : memref<!tpu.dma_semaphore, #tpu.memory_space<semaphore_mem>>) src(%arg6 : memref<400x128xf32, #tpu.memory_space<vmem>>) dst(%dma_wait3A_145 : memref<400x128xf32, #tpu.memory_space<hbm>>)
    %dma_start3A_146 = arith.constant 3200 : i32
    %dma_start3A_147 = tpu.memref_slice %arg5[%dma_start3A_146] : memref<6400xi32, #tpu.memory_space<vmem>> -> memref<400xi32, #tpu.memory_space<vmem>>
    %dma_start3A_148 = arith.constant 0 : i32
    %dma_start3A_149 = arith.constant 0 : i32
    %dma_start3A_150 = tpu.memref_slice %arg3[%dma_start3A_148, %dma_start3A_149] : memref<1000000x128xf32, #tpu.memory_space<hbm>> -> memref<1000000x128xf32, #tpu.memory_space<hbm>>
    tpu.enqueue_indirect_dma source(%dma_start3A_150 : memref<1000000x128xf32, #tpu.memory_space<hbm>>) target(%arg6 : memref<400x128xf32, #tpu.memory_space<vmem>>) offsets(%dma_start3A_147 : memref<400xi32, #tpu.memory_space<vmem>>) semaphore(%arg8 : memref<!tpu.dma_semaphore, #tpu.memory_space<semaphore_mem>>)
    %dma_wait3A_151 = arith.constant 2800 : i32
    %dma_wait3A_152 = tpu.memref_slice %arg5[%dma_wait3A_151] : memref<6400xi32, #tpu.memory_space<vmem>> -> memref<400xi32, #tpu.memory_space<vmem>>
    %dma_wait3A_153 = arith.constant 0 : i32
    %dma_wait3A_154 = arith.constant 0 : i32
    %dma_wait3A_155 = tpu.memref_slice %arg3[%dma_wait3A_153, %dma_wait3A_154] : memref<1000000x128xf32, #tpu.memory_space<hbm>> -> memref<1000000x128xf32, #tpu.memory_space<hbm>>
    tpu.wait_indirect_dma semaphore(%arg9 : memref<!tpu.dma_semaphore, #tpu.memory_space<semaphore_mem>>) src(%dma_wait3A_155 : memref<1000000x128xf32, #tpu.memory_space<hbm>>) dst(%arg7 : memref<400x128xf32, #tpu.memory_space<vmem>>)
    %add3A_156 = arith.constant 2800 : i32
    %add3A_157 = arith.addi %mul3A_2, %add3A_156 : i32
    %dma_start3A_158 = arith.constant 0 : i32
    %dma_start3A_159 = tpu.memref_slice %arg4[%add3A_157, %dma_start3A_158] : memref<204800x128xf32, #tpu.memory_space<hbm>> -> memref<400x128xf32, #tpu.memory_space<hbm>>
    %dma_start3A_160 = arith.constant 0 : i32
    %dma_start3A_161 = tpu.memref_slice %arg4[%add3A_157, %dma_start3A_160] : memref<204800x128xf32, #tpu.memory_space<hbm>> -> memref<400x128xf32, #tpu.memory_space<hbm>>
    tpu.enqueue_dma source(%arg7 : memref<400x128xf32, #tpu.memory_space<vmem>>) target(%dma_start3A_161 : memref<400x128xf32, #tpu.memory_space<hbm>>) target_semaphore(%arg11 : memref<!tpu.dma_semaphore, #tpu.memory_space<semaphore_mem>>)
    %dma_wait3A_162 = arith.constant 0 : i32
    %dma_wait3A_163 = tpu.memref_slice %arg4[%add3A_157, %dma_wait3A_162] : memref<204800x128xf32, #tpu.memory_space<hbm>> -> memref<400x128xf32, #tpu.memory_space<hbm>>
    %dma_wait3A_164 = arith.constant 0 : i32
    %dma_wait3A_165 = tpu.memref_slice %arg4[%add3A_157, %dma_wait3A_164] : memref<204800x128xf32, #tpu.memory_space<hbm>> -> memref<400x128xf32, #tpu.memory_space<hbm>>
    tpu.wait_dma2 semaphore(%arg11 : memref<!tpu.dma_semaphore, #tpu.memory_space<semaphore_mem>>) src(%arg7 : memref<400x128xf32, #tpu.memory_space<vmem>>) dst(%dma_wait3A_165 : memref<400x128xf32, #tpu.memory_space<hbm>>)
    %dma_start3A_166 = arith.constant 3600 : i32
    %dma_start3A_167 = tpu.memref_slice %arg5[%dma_start3A_166] : memref<6400xi32, #tpu.memory_space<vmem>> -> memref<400xi32, #tpu.memory_space<vmem>>
    %dma_start3A_168 = arith.constant 0 : i32
    %dma_start3A_169 = arith.constant 0 : i32
    %dma_start3A_170 = tpu.memref_slice %arg3[%dma_start3A_168, %dma_start3A_169] : memref<1000000x128xf32, #tpu.memory_space<hbm>> -> memref<1000000x128xf32, #tpu.memory_space<hbm>>
    tpu.enqueue_indirect_dma source(%dma_start3A_170 : memref<1000000x128xf32, #tpu.memory_space<hbm>>) target(%arg7 : memref<400x128xf32, #tpu.memory_space<vmem>>) offsets(%dma_start3A_167 : memref<400xi32, #tpu.memory_space<vmem>>) semaphore(%arg9 : memref<!tpu.dma_semaphore, #tpu.memory_space<semaphore_mem>>)
    %dma_wait3A_171 = arith.constant 3200 : i32
    %dma_wait3A_172 = tpu.memref_slice %arg5[%dma_wait3A_171] : memref<6400xi32, #tpu.memory_space<vmem>> -> memref<400xi32, #tpu.memory_space<vmem>>
    %dma_wait3A_173 = arith.constant 0 : i32
    %dma_wait3A_174 = arith.constant 0 : i32
    %dma_wait3A_175 = tpu.memref_slice %arg3[%dma_wait3A_173, %dma_wait3A_174] : memref<1000000x128xf32, #tpu.memory_space<hbm>> -> memref<1000000x128xf32, #tpu.memory_space<hbm>>
    tpu.wait_indirect_dma semaphore(%arg8 : memref<!tpu.dma_semaphore, #tpu.memory_space<semaphore_mem>>) src(%dma_wait3A_175 : memref<1000000x128xf32, #tpu.memory_space<hbm>>) dst(%arg6 : memref<400x128xf32, #tpu.memory_space<vmem>>)
    %add3A_176 = arith.constant 3200 : i32
    %add3A_177 = arith.addi %mul3A_2, %add3A_176 : i32
    %dma_start3A_178 = arith.constant 0 : i32
    %dma_start3A_179 = tpu.memref_slice %arg4[%add3A_177, %dma_start3A_178] : memref<204800x128xf32, #tpu.memory_space<hbm>> -> memref<400x128xf32, #tpu.memory_space<hbm>>
    %dma_start3A_180 = arith.constant 0 : i32
    %dma_start3A_181 = tpu.memref_slice %arg4[%add3A_177, %dma_start3A_180] : memref<204800x128xf32, #tpu.memory_space<hbm>> -> memref<400x128xf32, #tpu.memory_space<hbm>>
    tpu.enqueue_dma source(%arg6 : memref<400x128xf32, #tpu.memory_space<vmem>>) target(%dma_start3A_181 : memref<400x128xf32, #tpu.memory_space<hbm>>) target_semaphore(%arg10 : memref<!tpu.dma_semaphore, #tpu.memory_space<semaphore_mem>>)
    %dma_wait3A_182 = arith.constant 0 : i32
    %dma_wait3A_183 = tpu.memref_slice %arg4[%add3A_177, %dma_wait3A_182] : memref<204800x128xf32, #tpu.memory_space<hbm>> -> memref<400x128xf32, #tpu.memory_space<hbm>>
    %dma_wait3A_184 = arith.constant 0 : i32
    %dma_wait3A_185 = tpu.memref_slice %arg4[%add3A_177, %dma_wait3A_184] : memref<204800x128xf32, #tpu.memory_space<hbm>> -> memref<400x128xf32, #tpu.memory_space<hbm>>
    tpu.wait_dma2 semaphore(%arg10 : memref<!tpu.dma_semaphore, #tpu.memory_space<semaphore_mem>>) src(%arg6 : memref<400x128xf32, #tpu.memory_space<vmem>>) dst(%dma_wait3A_185 : memref<400x128xf32, #tpu.memory_space<hbm>>)
    %dma_start3A_186 = arith.constant 4000 : i32
    %dma_start3A_187 = tpu.memref_slice %arg5[%dma_start3A_186] : memref<6400xi32, #tpu.memory_space<vmem>> -> memref<400xi32, #tpu.memory_space<vmem>>
    %dma_start3A_188 = arith.constant 0 : i32
    %dma_start3A_189 = arith.constant 0 : i32
    %dma_start3A_190 = tpu.memref_slice %arg3[%dma_start3A_188, %dma_start3A_189] : memref<1000000x128xf32, #tpu.memory_space<hbm>> -> memref<1000000x128xf32, #tpu.memory_space<hbm>>
    tpu.enqueue_indirect_dma source(%dma_start3A_190 : memref<1000000x128xf32, #tpu.memory_space<hbm>>) target(%arg6 : memref<400x128xf32, #tpu.memory_space<vmem>>) offsets(%dma_start3A_187 : memref<400xi32, #tpu.memory_space<vmem>>) semaphore(%arg8 : memref<!tpu.dma_semaphore, #tpu.memory_space<semaphore_mem>>)
    %dma_wait3A_191 = arith.constant 3600 : i32
    %dma_wait3A_192 = tpu.memref_slice %arg5[%dma_wait3A_191] : memref<6400xi32, #tpu.memory_space<vmem>> -> memref<400xi32, #tpu.memory_space<vmem>>
    %dma_wait3A_193 = arith.constant 0 : i32
    %dma_wait3A_194 = arith.constant 0 : i32
    %dma_wait3A_195 = tpu.memref_slice %arg3[%dma_wait3A_193, %dma_wait3A_194] : memref<1000000x128xf32, #tpu.memory_space<hbm>> -> memref<1000000x128xf32, #tpu.memory_space<hbm>>
    tpu.wait_indirect_dma semaphore(%arg9 : memref<!tpu.dma_semaphore, #tpu.memory_space<semaphore_mem>>) src(%dma_wait3A_195 : memref<1000000x128xf32, #tpu.memory_space<hbm>>) dst(%arg7 : memref<400x128xf32, #tpu.memory_space<vmem>>)
    %add3A_196 = arith.constant 3600 : i32
    %add3A_197 = arith.addi %mul3A_2, %add3A_196 : i32
    %dma_start3A_198 = arith.constant 0 : i32
    %dma_start3A_199 = tpu.memref_slice %arg4[%add3A_197, %dma_start3A_198] : memref<204800x128xf32, #tpu.memory_space<hbm>> -> memref<400x128xf32, #tpu.memory_space<hbm>>
    %dma_start3A_200 = arith.constant 0 : i32
    %dma_start3A_201 = tpu.memref_slice %arg4[%add3A_197, %dma_start3A_200] : memref<204800x128xf32, #tpu.memory_space<hbm>> -> memref<400x128xf32, #tpu.memory_space<hbm>>
    tpu.enqueue_dma source(%arg7 : memref<400x128xf32, #tpu.memory_space<vmem>>) target(%dma_start3A_201 : memref<400x128xf32, #tpu.memory_space<hbm>>) target_semaphore(%arg11 : memref<!tpu.dma_semaphore, #tpu.memory_space<semaphore_mem>>)
    %dma_wait3A_202 = arith.constant 0 : i32
    %dma_wait3A_203 = tpu.memref_slice %arg4[%add3A_197, %dma_wait3A_202] : memref<204800x128xf32, #tpu.memory_space<hbm>> -> memref<400x128xf32, #tpu.memory_space<hbm>>
    %dma_wait3A_204 = arith.constant 0 : i32
    %dma_wait3A_205 = tpu.memref_slice %arg4[%add3A_197, %dma_wait3A_204] : memref<204800x128xf32, #tpu.memory_space<hbm>> -> memref<400x128xf32, #tpu.memory_space<hbm>>
    tpu.wait_dma2 semaphore(%arg11 : memref<!tpu.dma_semaphore, #tpu.memory_space<semaphore_mem>>) src(%arg7 : memref<400x128xf32, #tpu.memory_space<vmem>>) dst(%dma_wait3A_205 : memref<400x128xf32, #tpu.memory_space<hbm>>)
    %dma_start3A_206 = arith.constant 4400 : i32
    %dma_start3A_207 = tpu.memref_slice %arg5[%dma_start3A_206] : memref<6400xi32, #tpu.memory_space<vmem>> -> memref<400xi32, #tpu.memory_space<vmem>>
    %dma_start3A_208 = arith.constant 0 : i32
    %dma_start3A_209 = arith.constant 0 : i32
    %dma_start3A_210 = tpu.memref_slice %arg3[%dma_start3A_208, %dma_start3A_209] : memref<1000000x128xf32, #tpu.memory_space<hbm>> -> memref<1000000x128xf32, #tpu.memory_space<hbm>>
    tpu.enqueue_indirect_dma source(%dma_start3A_210 : memref<1000000x128xf32, #tpu.memory_space<hbm>>) target(%arg7 : memref<400x128xf32, #tpu.memory_space<vmem>>) offsets(%dma_start3A_207 : memref<400xi32, #tpu.memory_space<vmem>>) semaphore(%arg9 : memref<!tpu.dma_semaphore, #tpu.memory_space<semaphore_mem>>)
    %dma_wait3A_211 = arith.constant 4000 : i32
    %dma_wait3A_212 = tpu.memref_slice %arg5[%dma_wait3A_211] : memref<6400xi32, #tpu.memory_space<vmem>> -> memref<400xi32, #tpu.memory_space<vmem>>
    %dma_wait3A_213 = arith.constant 0 : i32
    %dma_wait3A_214 = arith.constant 0 : i32
    %dma_wait3A_215 = tpu.memref_slice %arg3[%dma_wait3A_213, %dma_wait3A_214] : memref<1000000x128xf32, #tpu.memory_space<hbm>> -> memref<1000000x128xf32, #tpu.memory_space<hbm>>
    tpu.wait_indirect_dma semaphore(%arg8 : memref<!tpu.dma_semaphore, #tpu.memory_space<semaphore_mem>>) src(%dma_wait3A_215 : memref<1000000x128xf32, #tpu.memory_space<hbm>>) dst(%arg6 : memref<400x128xf32, #tpu.memory_space<vmem>>)
    %add3A_216 = arith.constant 4000 : i32
    %add3A_217 = arith.addi %mul3A_2, %add3A_216 : i32
    %dma_start3A_218 = arith.constant 0 : i32
    %dma_start3A_219 = tpu.memref_slice %arg4[%add3A_217, %dma_start3A_218] : memref<204800x128xf32, #tpu.memory_space<hbm>> -> memref<400x128xf32, #tpu.memory_space<hbm>>
    %dma_start3A_220 = arith.constant 0 : i32
    %dma_start3A_221 = tpu.memref_slice %arg4[%add3A_217, %dma_start3A_220] : memref<204800x128xf32, #tpu.memory_space<hbm>> -> memref<400x128xf32, #tpu.memory_space<hbm>>
    tpu.enqueue_dma source(%arg6 : memref<400x128xf32, #tpu.memory_space<vmem>>) target(%dma_start3A_221 : memref<400x128xf32, #tpu.memory_space<hbm>>) target_semaphore(%arg10 : memref<!tpu.dma_semaphore, #tpu.memory_space<semaphore_mem>>)
    %dma_wait3A_222 = arith.constant 0 : i32
    %dma_wait3A_223 = tpu.memref_slice %arg4[%add3A_217, %dma_wait3A_222] : memref<204800x128xf32, #tpu.memory_space<hbm>> -> memref<400x128xf32, #tpu.memory_space<hbm>>
    %dma_wait3A_224 = arith.constant 0 : i32
    %dma_wait3A_225 = tpu.memref_slice %arg4[%add3A_217, %dma_wait3A_224] : memref<204800x128xf32, #tpu.memory_space<hbm>> -> memref<400x128xf32, #tpu.memory_space<hbm>>
    tpu.wait_dma2 semaphore(%arg10 : memref<!tpu.dma_semaphore, #tpu.memory_space<semaphore_mem>>) src(%arg6 : memref<400x128xf32, #tpu.memory_space<vmem>>) dst(%dma_wait3A_225 : memref<400x128xf32, #tpu.memory_space<hbm>>)
    %dma_start3A_226 = arith.constant 4800 : i32
    %dma_start3A_227 = tpu.memref_slice %arg5[%dma_start3A_226] : memref<6400xi32, #tpu.memory_space<vmem>> -> memref<400xi32, #tpu.memory_space<vmem>>
    %dma_start3A_228 = arith.constant 0 : i32
    %dma_start3A_229 = arith.constant 0 : i32
    %dma_start3A_230 = tpu.memref_slice %arg3[%dma_start3A_228, %dma_start3A_229] : memref<1000000x128xf32, #tpu.memory_space<hbm>> -> memref<1000000x128xf32, #tpu.memory_space<hbm>>
    tpu.enqueue_indirect_dma source(%dma_start3A_230 : memref<1000000x128xf32, #tpu.memory_space<hbm>>) target(%arg6 : memref<400x128xf32, #tpu.memory_space<vmem>>) offsets(%dma_start3A_227 : memref<400xi32, #tpu.memory_space<vmem>>) semaphore(%arg8 : memref<!tpu.dma_semaphore, #tpu.memory_space<semaphore_mem>>)
    %dma_wait3A_231 = arith.constant 4400 : i32
    %dma_wait3A_232 = tpu.memref_slice %arg5[%dma_wait3A_231] : memref<6400xi32, #tpu.memory_space<vmem>> -> memref<400xi32, #tpu.memory_space<vmem>>
    %dma_wait3A_233 = arith.constant 0 : i32
    %dma_wait3A_234 = arith.constant 0 : i32
    %dma_wait3A_235 = tpu.memref_slice %arg3[%dma_wait3A_233, %dma_wait3A_234] : memref<1000000x128xf32, #tpu.memory_space<hbm>> -> memref<1000000x128xf32, #tpu.memory_space<hbm>>
    tpu.wait_indirect_dma semaphore(%arg9 : memref<!tpu.dma_semaphore, #tpu.memory_space<semaphore_mem>>) src(%dma_wait3A_235 : memref<1000000x128xf32, #tpu.memory_space<hbm>>) dst(%arg7 : memref<400x128xf32, #tpu.memory_space<vmem>>)
    %add3A_236 = arith.constant 4400 : i32
    %add3A_237 = arith.addi %mul3A_2, %add3A_236 : i32
    %dma_start3A_238 = arith.constant 0 : i32
    %dma_start3A_239 = tpu.memref_slice %arg4[%add3A_237, %dma_start3A_238] : memref<204800x128xf32, #tpu.memory_space<hbm>> -> memref<400x128xf32, #tpu.memory_space<hbm>>
    %dma_start3A_240 = arith.constant 0 : i32
    %dma_start3A_241 = tpu.memref_slice %arg4[%add3A_237, %dma_start3A_240] : memref<204800x128xf32, #tpu.memory_space<hbm>> -> memref<400x128xf32, #tpu.memory_space<hbm>>
    tpu.enqueue_dma source(%arg7 : memref<400x128xf32, #tpu.memory_space<vmem>>) target(%dma_start3A_241 : memref<400x128xf32, #tpu.memory_space<hbm>>) target_semaphore(%arg11 : memref<!tpu.dma_semaphore, #tpu.memory_space<semaphore_mem>>)
    %dma_wait3A_242 = arith.constant 0 : i32
    %dma_wait3A_243 = tpu.memref_slice %arg4[%add3A_237, %dma_wait3A_242] : memref<204800x128xf32, #tpu.memory_space<hbm>> -> memref<400x128xf32, #tpu.memory_space<hbm>>
    %dma_wait3A_244 = arith.constant 0 : i32
    %dma_wait3A_245 = tpu.memref_slice %arg4[%add3A_237, %dma_wait3A_244] : memref<204800x128xf32, #tpu.memory_space<hbm>> -> memref<400x128xf32, #tpu.memory_space<hbm>>
    tpu.wait_dma2 semaphore(%arg11 : memref<!tpu.dma_semaphore, #tpu.memory_space<semaphore_mem>>) src(%arg7 : memref<400x128xf32, #tpu.memory_space<vmem>>) dst(%dma_wait3A_245 : memref<400x128xf32, #tpu.memory_space<hbm>>)
    %dma_start3A_246 = arith.constant 5200 : i32
    %dma_start3A_247 = tpu.memref_slice %arg5[%dma_start3A_246] : memref<6400xi32, #tpu.memory_space<vmem>> -> memref<400xi32, #tpu.memory_space<vmem>>
    %dma_start3A_248 = arith.constant 0 : i32
    %dma_start3A_249 = arith.constant 0 : i32
    %dma_start3A_250 = tpu.memref_slice %arg3[%dma_start3A_248, %dma_start3A_249] : memref<1000000x128xf32, #tpu.memory_space<hbm>> -> memref<1000000x128xf32, #tpu.memory_space<hbm>>
    tpu.enqueue_indirect_dma source(%dma_start3A_250 : memref<1000000x128xf32, #tpu.memory_space<hbm>>) target(%arg7 : memref<400x128xf32, #tpu.memory_space<vmem>>) offsets(%dma_start3A_247 : memref<400xi32, #tpu.memory_space<vmem>>) semaphore(%arg9 : memref<!tpu.dma_semaphore, #tpu.memory_space<semaphore_mem>>)
    %dma_wait3A_251 = arith.constant 4800 : i32
    %dma_wait3A_252 = tpu.memref_slice %arg5[%dma_wait3A_251] : memref<6400xi32, #tpu.memory_space<vmem>> -> memref<400xi32, #tpu.memory_space<vmem>>
    %dma_wait3A_253 = arith.constant 0 : i32
    %dma_wait3A_254 = arith.constant 0 : i32
    %dma_wait3A_255 = tpu.memref_slice %arg3[%dma_wait3A_253, %dma_wait3A_254] : memref<1000000x128xf32, #tpu.memory_space<hbm>> -> memref<1000000x128xf32, #tpu.memory_space<hbm>>
    tpu.wait_indirect_dma semaphore(%arg8 : memref<!tpu.dma_semaphore, #tpu.memory_space<semaphore_mem>>) src(%dma_wait3A_255 : memref<1000000x128xf32, #tpu.memory_space<hbm>>) dst(%arg6 : memref<400x128xf32, #tpu.memory_space<vmem>>)
    %add3A_256 = arith.constant 4800 : i32
    %add3A_257 = arith.addi %mul3A_2, %add3A_256 : i32
    %dma_start3A_258 = arith.constant 0 : i32
    %dma_start3A_259 = tpu.memref_slice %arg4[%add3A_257, %dma_start3A_258] : memref<204800x128xf32, #tpu.memory_space<hbm>> -> memref<400x128xf32, #tpu.memory_space<hbm>>
    %dma_start3A_260 = arith.constant 0 : i32
    %dma_start3A_261 = tpu.memref_slice %arg4[%add3A_257, %dma_start3A_260] : memref<204800x128xf32, #tpu.memory_space<hbm>> -> memref<400x128xf32, #tpu.memory_space<hbm>>
    tpu.enqueue_dma source(%arg6 : memref<400x128xf32, #tpu.memory_space<vmem>>) target(%dma_start3A_261 : memref<400x128xf32, #tpu.memory_space<hbm>>) target_semaphore(%arg10 : memref<!tpu.dma_semaphore, #tpu.memory_space<semaphore_mem>>)
    %dma_wait3A_262 = arith.constant 0 : i32
    %dma_wait3A_263 = tpu.memref_slice %arg4[%add3A_257, %dma_wait3A_262] : memref<204800x128xf32, #tpu.memory_space<hbm>> -> memref<400x128xf32, #tpu.memory_space<hbm>>
    %dma_wait3A_264 = arith.constant 0 : i32
    %dma_wait3A_265 = tpu.memref_slice %arg4[%add3A_257, %dma_wait3A_264] : memref<204800x128xf32, #tpu.memory_space<hbm>> -> memref<400x128xf32, #tpu.memory_space<hbm>>
    tpu.wait_dma2 semaphore(%arg10 : memref<!tpu.dma_semaphore, #tpu.memory_space<semaphore_mem>>) src(%arg6 : memref<400x128xf32, #tpu.memory_space<vmem>>) dst(%dma_wait3A_265 : memref<400x128xf32, #tpu.memory_space<hbm>>)
    %dma_start3A_266 = arith.constant 5600 : i32
    %dma_start3A_267 = tpu.memref_slice %arg5[%dma_start3A_266] : memref<6400xi32, #tpu.memory_space<vmem>> -> memref<400xi32, #tpu.memory_space<vmem>>
    %dma_start3A_268 = arith.constant 0 : i32
    %dma_start3A_269 = arith.constant 0 : i32
    %dma_start3A_270 = tpu.memref_slice %arg3[%dma_start3A_268, %dma_start3A_269] : memref<1000000x128xf32, #tpu.memory_space<hbm>> -> memref<1000000x128xf32, #tpu.memory_space<hbm>>
    tpu.enqueue_indirect_dma source(%dma_start3A_270 : memref<1000000x128xf32, #tpu.memory_space<hbm>>) target(%arg6 : memref<400x128xf32, #tpu.memory_space<vmem>>) offsets(%dma_start3A_267 : memref<400xi32, #tpu.memory_space<vmem>>) semaphore(%arg8 : memref<!tpu.dma_semaphore, #tpu.memory_space<semaphore_mem>>)
    %dma_wait3A_271 = arith.constant 5200 : i32
    %dma_wait3A_272 = tpu.memref_slice %arg5[%dma_wait3A_271] : memref<6400xi32, #tpu.memory_space<vmem>> -> memref<400xi32, #tpu.memory_space<vmem>>
    %dma_wait3A_273 = arith.constant 0 : i32
    %dma_wait3A_274 = arith.constant 0 : i32
    %dma_wait3A_275 = tpu.memref_slice %arg3[%dma_wait3A_273, %dma_wait3A_274] : memref<1000000x128xf32, #tpu.memory_space<hbm>> -> memref<1000000x128xf32, #tpu.memory_space<hbm>>
    tpu.wait_indirect_dma semaphore(%arg9 : memref<!tpu.dma_semaphore, #tpu.memory_space<semaphore_mem>>) src(%dma_wait3A_275 : memref<1000000x128xf32, #tpu.memory_space<hbm>>) dst(%arg7 : memref<400x128xf32, #tpu.memory_space<vmem>>)
    %add3A_276 = arith.constant 5200 : i32
    %add3A_277 = arith.addi %mul3A_2, %add3A_276 : i32
    %dma_start3A_278 = arith.constant 0 : i32
    %dma_start3A_279 = tpu.memref_slice %arg4[%add3A_277, %dma_start3A_278] : memref<204800x128xf32, #tpu.memory_space<hbm>> -> memref<400x128xf32, #tpu.memory_space<hbm>>
    %dma_start3A_280 = arith.constant 0 : i32
    %dma_start3A_281 = tpu.memref_slice %arg4[%add3A_277, %dma_start3A_280] : memref<204800x128xf32, #tpu.memory_space<hbm>> -> memref<400x128xf32, #tpu.memory_space<hbm>>
    tpu.enqueue_dma source(%arg7 : memref<400x128xf32, #tpu.memory_space<vmem>>) target(%dma_start3A_281 : memref<400x128xf32, #tpu.memory_space<hbm>>) target_semaphore(%arg11 : memref<!tpu.dma_semaphore, #tpu.memory_space<semaphore_mem>>)
    %dma_wait3A_282 = arith.constant 0 : i32
    %dma_wait3A_283 = tpu.memref_slice %arg4[%add3A_277, %dma_wait3A_282] : memref<204800x128xf32, #tpu.memory_space<hbm>> -> memref<400x128xf32, #tpu.memory_space<hbm>>
    %dma_wait3A_284 = arith.constant 0 : i32
    %dma_wait3A_285 = tpu.memref_slice %arg4[%add3A_277, %dma_wait3A_284] : memref<204800x128xf32, #tpu.memory_space<hbm>> -> memref<400x128xf32, #tpu.memory_space<hbm>>
    tpu.wait_dma2 semaphore(%arg11 : memref<!tpu.dma_semaphore, #tpu.memory_space<semaphore_mem>>) src(%arg7 : memref<400x128xf32, #tpu.memory_space<vmem>>) dst(%dma_wait3A_285 : memref<400x128xf32, #tpu.memory_space<hbm>>)
    %dma_start3A_286 = arith.constant 6000 : i32
    %dma_start3A_287 = tpu.memref_slice %arg5[%dma_start3A_286] : memref<6400xi32, #tpu.memory_space<vmem>> -> memref<400xi32, #tpu.memory_space<vmem>>
    %dma_start3A_288 = arith.constant 0 : i32
    %dma_start3A_289 = arith.constant 0 : i32
    %dma_start3A_290 = tpu.memref_slice %arg3[%dma_start3A_288, %dma_start3A_289] : memref<1000000x128xf32, #tpu.memory_space<hbm>> -> memref<1000000x128xf32, #tpu.memory_space<hbm>>
    tpu.enqueue_indirect_dma source(%dma_start3A_290 : memref<1000000x128xf32, #tpu.memory_space<hbm>>) target(%arg7 : memref<400x128xf32, #tpu.memory_space<vmem>>) offsets(%dma_start3A_287 : memref<400xi32, #tpu.memory_space<vmem>>) semaphore(%arg9 : memref<!tpu.dma_semaphore, #tpu.memory_space<semaphore_mem>>)
    %dma_wait3A_291 = arith.constant 5600 : i32
    %dma_wait3A_292 = tpu.memref_slice %arg5[%dma_wait3A_291] : memref<6400xi32, #tpu.memory_space<vmem>> -> memref<400xi32, #tpu.memory_space<vmem>>
    %dma_wait3A_293 = arith.constant 0 : i32
    %dma_wait3A_294 = arith.constant 0 : i32
    %dma_wait3A_295 = tpu.memref_slice %arg3[%dma_wait3A_293, %dma_wait3A_294] : memref<1000000x128xf32, #tpu.memory_space<hbm>> -> memref<1000000x128xf32, #tpu.memory_space<hbm>>
    tpu.wait_indirect_dma semaphore(%arg8 : memref<!tpu.dma_semaphore, #tpu.memory_space<semaphore_mem>>) src(%dma_wait3A_295 : memref<1000000x128xf32, #tpu.memory_space<hbm>>) dst(%arg6 : memref<400x128xf32, #tpu.memory_space<vmem>>)
    %add3A_296 = arith.constant 5600 : i32
    %add3A_297 = arith.addi %mul3A_2, %add3A_296 : i32
    %dma_start3A_298 = arith.constant 0 : i32
    %dma_start3A_299 = tpu.memref_slice %arg4[%add3A_297, %dma_start3A_298] : memref<204800x128xf32, #tpu.memory_space<hbm>> -> memref<400x128xf32, #tpu.memory_space<hbm>>
    %dma_start3A_300 = arith.constant 0 : i32
    %dma_start3A_301 = tpu.memref_slice %arg4[%add3A_297, %dma_start3A_300] : memref<204800x128xf32, #tpu.memory_space<hbm>> -> memref<400x128xf32, #tpu.memory_space<hbm>>
    tpu.enqueue_dma source(%arg6 : memref<400x128xf32, #tpu.memory_space<vmem>>) target(%dma_start3A_301 : memref<400x128xf32, #tpu.memory_space<hbm>>) target_semaphore(%arg10 : memref<!tpu.dma_semaphore, #tpu.memory_space<semaphore_mem>>)
    %dma_wait3A_302 = arith.constant 6000 : i32
    %dma_wait3A_303 = tpu.memref_slice %arg5[%dma_wait3A_302] : memref<6400xi32, #tpu.memory_space<vmem>> -> memref<400xi32, #tpu.memory_space<vmem>>
    %dma_wait3A_304 = arith.constant 0 : i32
    %dma_wait3A_305 = arith.constant 0 : i32
    %dma_wait3A_306 = tpu.memref_slice %arg3[%dma_wait3A_304, %dma_wait3A_305] : memref<1000000x128xf32, #tpu.memory_space<hbm>> -> memref<1000000x128xf32, #tpu.memory_space<hbm>>
    tpu.wait_indirect_dma semaphore(%arg9 : memref<!tpu.dma_semaphore, #tpu.memory_space<semaphore_mem>>) src(%dma_wait3A_306 : memref<1000000x128xf32, #tpu.memory_space<hbm>>) dst(%arg7 : memref<400x128xf32, #tpu.memory_space<vmem>>)
    %add3A_307 = arith.constant 6000 : i32
    %add3A_308 = arith.addi %mul3A_2, %add3A_307 : i32
    %dma_start3A_309 = arith.constant 0 : i32
    %dma_start3A_310 = tpu.memref_slice %arg4[%add3A_308, %dma_start3A_309] : memref<204800x128xf32, #tpu.memory_space<hbm>> -> memref<400x128xf32, #tpu.memory_space<hbm>>
    %dma_start3A_311 = arith.constant 0 : i32
    %dma_start3A_312 = tpu.memref_slice %arg4[%add3A_308, %dma_start3A_311] : memref<204800x128xf32, #tpu.memory_space<hbm>> -> memref<400x128xf32, #tpu.memory_space<hbm>>
    tpu.enqueue_dma source(%arg7 : memref<400x128xf32, #tpu.memory_space<vmem>>) target(%dma_start3A_312 : memref<400x128xf32, #tpu.memory_space<hbm>>) target_semaphore(%arg11 : memref<!tpu.dma_semaphore, #tpu.memory_space<semaphore_mem>>)
    %dma_wait3A_313 = arith.constant 0 : i32
    %dma_wait3A_314 = tpu.memref_slice %arg4[%add3A_297, %dma_wait3A_313] : memref<204800x128xf32, #tpu.memory_space<hbm>> -> memref<400x128xf32, #tpu.memory_space<hbm>>
    %dma_wait3A_315 = arith.constant 0 : i32
    %dma_wait3A_316 = tpu.memref_slice %arg4[%add3A_297, %dma_wait3A_315] : memref<204800x128xf32, #tpu.memory_space<hbm>> -> memref<400x128xf32, #tpu.memory_space<hbm>>
    tpu.wait_dma2 semaphore(%arg10 : memref<!tpu.dma_semaphore, #tpu.memory_space<semaphore_mem>>) src(%arg6 : memref<400x128xf32, #tpu.memory_space<vmem>>) dst(%dma_wait3A_316 : memref<400x128xf32, #tpu.memory_space<hbm>>)
    %dma_wait3A_317 = arith.constant 0 : i32
    %dma_wait3A_318 = tpu.memref_slice %arg4[%add3A_308, %dma_wait3A_317] : memref<204800x128xf32, #tpu.memory_space<hbm>> -> memref<400x128xf32, #tpu.memory_space<hbm>>
    %dma_wait3A_319 = arith.constant 0 : i32
    %dma_wait3A_320 = tpu.memref_slice %arg4[%add3A_308, %dma_wait3A_319] : memref<204800x128xf32, #tpu.memory_space<hbm>> -> memref<400x128xf32, #tpu.memory_space<hbm>>
    tpu.wait_dma2 semaphore(%arg11 : memref<!tpu.dma_semaphore, #tpu.memory_space<semaphore_mem>>) src(%arg7 : memref<400x128xf32, #tpu.memory_space<vmem>>) dst(%dma_wait3A_320 : memref<400x128xf32, #tpu.memory_space<hbm>>)
    return
  }
}

</mosaic_0001>

<sc_bundles>
// kernel: kernel.3.cloned.1.call-start
scs
__scs_entry_jumppad:
0x0: {  	(pc) =	sbr.rel $0x88, $3  }
0x1: {  	(tag) =	ssettag $0x0;
	lr =	simm.s32 $0x1  }
0x2: {  	[smem:$0x3F9F] =	sst lr;
	_ =	strace $0xD0000000  }
0x3: {  	_ = 	snop  }
0x4: {  	_ = 	snop  }
0x5: {  	_ = 	snop  }
0x6: {  	_ = 	snop  }
0x7: {  	_ = 	snop  }
__scs_overlays_trampoline_lowered:
0x8: {  	[smem:$0x3FAE] =	sst s0  }
0x9: {  	[smem:$0x3FAF] =	sst s1  }
0xa: {  	[smem:$0x3FB0] =	sst s2  }
0xb: {  	[smem:$0x3FB1] =	sst s3  }
0xc: {  	[smem:$0x3FB2] =	sst s4  }
0xd: {  	[smem:$0x3FB3] =	sst s5  }
0xe: {  	[smem:$0x3FB4] =	sst s6  }
0xf: {  	[smem:$0x3FB5] =	sst s7  }
0x10: {  	[smem:$0x3FB6] =	sst s8  }
0x11: {  	[smem:$0x3FB7] =	sst s9;
	s0 =	simm.s32 @!p0 $0x0  }
0x12: {  	s1 =	sld [smem:$0x3F9D];
	s0 =	simm.s32 @p0 $0x1  }
0x13: {  	[smem:$0x3FB8] =	sst s0;
	s0 =	simm.s32 @!p1 $0x0  }
0x14: {  	s2 =	sld [smem:$0x3F9C];
	s0 =	simm.s32 @p1 $0x1  }
0x15: {  	[smem:$0x3FB9] =	sst s0;
	s0 =	simm.s32 @!p2 $0x0  }
0x16: {  	s3 =	sld [smem:$0x3FDB];
	s0 =	simm.s32 @p2 $0x1  }
0x17: {  	s4 =	simm.s32 $0x1BF5;
	[smem:$0x3FBB] =	sst s0  }
0x18: {  	s0 =	sld [smem:$0x3F9E];
	_ =	swait.ge [sflag:s4], $0x0  }
0x19: {  	s7 =	sld [smem:$0x3F9F]  }
0x1a: {  	s8 =	sadd.s32 $0xFFFFE003, lr  }
0x1b: {  	s9 =	sadd.s32 $0xFFFFFEF7, lr;
	s5 =	simm.s32 $0xFFFFFFFF;
	p2 =	slt.u32 s8, $0xFFFFF086  }
0x1c: {  	p1 =	slt.u32 s9, $0xF7A;
	s5 =	simm.s32 @!p2 $0x0  }
0x1d: {  	s5 =	simm.s32 @p1 $0x1;
	p0 =	seq.s32 s7, s2  }
0x1e: {  	s7 =	smul.u32 @!p0 $0xF7A, s2;
	p2 =	seq.s32 @!p0 s5, $0x0  }
0x1f: {  	s9 =	smul.u32 $0xF7A, s1;
	s8 =	simm.s32 @!p0 $0x1BF5;
	p2 =	por !p2, p0  }
0x20: {  	[sflag:s8] =	ssyncset.s32 @!p0 $0xFFFFF086;
	s6 =	sadd.s32 @!p0 s3, s7;
	s7 =	simm.s32 @!p0 $0x108  }
0x21: {  	s3 =	sadd.s32 s3, s9;
	s6 =	sadd.s32 @!p0 $0x88, s6;
	s7 =	simm.s32 @p2 $0x1082  }
0x22: {  	[simem:s7], [sflag:s8] =	dma.local @!p0 [hbm:s6], $0xF7A  }
0x23: {  	s9 =	sor.u32 $0xD0000000, s2;
	s6 =	simm.s32 $0x108;
	_ =	swait.ge @!p0 [sflag:s8], $0x0  }
0x24: {  	s3 =	sadd.s32 $0x88, s3;
	s6 =	simm.s32 @!p1 $0x1082;
	[sflag:s4] =	ssyncset.s32 $0xFFFFF086  }
0x25: {  	[simem:s6], [sflag:s4] =	dma.local [hbm:s3], $0xF7A  }
0x26: {  	[smem:$0x3F9F] =	sst s1;
	(tag) =	ssettag s2;
	_ =	strace s9  }
0x27: {  	s1 =	sld [smem:$0x3FAF]  }
0x28: {  	s2 =	sld [smem:$0x3FB0]  }
0x29: {  	s4 =	sld [smem:$0x3FB2]  }
0x2a: {  	p0 =	seq.s32 s5, $0x0;
	s5 =	sld [smem:$0x3FB3]  }
0x2b: {  	s6 =	sld [smem:$0x3FB4]  }
0x2c: {  	s7 =	sld [smem:$0x3FB5]  }
0x2d: {  	s3 =	simm.s32 $0x108;
	s8 =	sld [smem:$0x3FB6]  }
0x2e: {  	s3 =	simm.s32 @!p0 $0x1082;
	s9 =	sld [smem:$0x3FB7]  }
0x2f: {  	lr =	sadd.s32 s0, s3;
	s0 =	sld [smem:$0x3FAE]  }
0x30: {  	s3 =	sld [smem:$0x3FB1]  }
0x31: {  	[smem:$0x3FBA] =	sst s10  }
0x32: {  	s10 =	sld [smem:$0x3FB8];
	_ =	sdelay $0x3  }
0x33: {  	p0 =	seq.s32 s10, $0x1;
	s10 =	sld [smem:$0x3FBA];
	_ =	sdelay $0x3  }
0x34: {  	[smem:$0x3FBA] =	sst s10  }
0x35: {  	s10 =	sld [smem:$0x3FB9];
	_ =	sdelay $0x3  }
0x36: {  	p1 =	seq.s32 s10, $0x1;
	s10 =	sld [smem:$0x3FBA];
	_ =	sdelay $0x3  }
0x37: {  	[smem:$0x3FBA] =	sst s10  }
0x38: {  	s10 =	sld [smem:$0x3FBB]  }
0x39: {  	_ = 	snop;
	(pc) =	sbr.ind lr, $3  }
0x3a: {  	_ = 	snop  }
0x3b: {  	_ = 	snop  }
0x3c: {  	p2 =	seq.s32 s10, $0x1;
	s10 =	sld [smem:$0x3FBA]  }
0x3d: {  	_ =	shalt  }
0x3e: {  	_ =	shalt  }
0x3f: {  	_ =	shalt  }
0x40: {  	_ =	shalt  }
0x41: {  	_ =	shalt  }
0x42: {  	_ =	shalt  }
0x43: {  	_ =	shalt  }
0x44: {  	_ =	shalt  }
0x45: {  	_ =	shalt  }
0x46: {  	_ =	shalt  }
0x47: {  	_ =	shalt  }
0x48: {  	_ =	shalt  }
0x49: {  	_ =	shalt  }
0x4a: {  	_ =	shalt  }
0x4b: {  	_ =	shalt  }
0x4c: {  	_ =	shalt  }
0x4d: {  	_ =	shalt  }
0x4e: {  	_ =	shalt  }
0x4f: {  	_ =	shalt  }
0x50: {  	_ =	shalt  }
0x51: {  	_ =	shalt  }
0x52: {  	_ =	shalt  }
0x53: {  	_ =	shalt  }
0x54: {  	_ =	shalt  }
0x55: {  	_ =	shalt  }
0x56: {  	_ =	shalt  }
0x57: {  	_ =	shalt  }
0x58: {  	_ =	shalt  }
0x59: {  	_ =	shalt  }
0x5a: {  	_ =	shalt  }
0x5b: {  	_ =	shalt  }
0x5c: {  	_ =	shalt  }
0x5d: {  	_ =	shalt  }
0x5e: {  	_ =	shalt  }
0x5f: {  	_ =	shalt  }
0x60: {  	_ =	shalt  }
0x61: {  	_ =	shalt  }
0x62: {  	_ =	shalt  }
0x63: {  	_ =	shalt  }
0x64: {  	_ =	shalt  }
0x65: {  	_ =	shalt  }
0x66: {  	_ =	shalt  }
0x67: {  	_ =	shalt  }
0x68: {  	_ =	shalt  }
0x69: {  	_ =	shalt  }
0x6a: {  	_ =	shalt  }
0x6b: {  	_ =	shalt  }
0x6c: {  	_ =	shalt  }
0x6d: {  	_ =	shalt  }
0x6e: {  	_ =	shalt  }
0x6f: {  	_ =	shalt  }
0x70: {  	_ =	shalt  }
0x71: {  	_ =	shalt  }
0x72: {  	_ =	shalt  }
0x73: {  	_ =	shalt  }
0x74: {  	_ =	shalt  }
0x75: {  	_ =	shalt  }
0x76: {  	_ =	shalt  }
0x77: {  	_ =	shalt  }
0x78: {  	_ =	shalt  }
0x79: {  	_ =	shalt  }
0x7a: {  	_ =	shalt  }
0x7b: {  	_ =	shalt  }
0x7c: {  	_ =	shalt  }
0x7d: {  	_ =	shalt  }
0x7e: {  	_ =	shalt  }
0x7f: {  	_ =	shalt  }
0x80: {  	_ =	shalt  }
0x81: {  	_ =	shalt  }
0x82: {  	_ =	shalt  }
0x83: {  	_ =	shalt  }
0x84: {  	_ =	shalt  }
0x85: {  	_ =	shalt  }
0x86: {  	_ =	shalt  }
0x87: {  	_ =	shalt  }
.Lfunc_end0:
.L_simem_size_0:
called_computation.1_lowered:
.L_overlay_start_0:
0x88: {  	s2 =	sld [smem:$0x3FD9]  }
0x89: {  	s3 =	sld [smem:$0x3FFE];
	_ =	sdelay $0x1  }
0x8a: {  	s1 =	srdreg.scid  }
0x8b: {  	s0 =	sand.u32 $0x1, s1  }
0x8c: {  	s17 =	sshll.u32 s0, $0xA;
	s2 =	sadd.s32 s3, s2  }
0x8d: {  	s2 =	sadd.s32 s2, s17  }
0x8e: {  	[smem:$0x3FC6] =	sst s2  }
0x8f: {  	_ = 	snop  }
0x90: {  	s2 =	sld [smem:$0x3FD0];
	(tm) =	ssettm $0x1  }
0x91: {  	s18 =	sld [smem:$0x3FFB];
	_ =	sdelay $0x3  }
0x92: {  	_ =	strace s18  }
0x93: {  	s3 =	sld [smem:$0x3FFC];
	_ =	sdelay $0x3  }
0x94: {  	_ =	strace s3  }
0x95: {  	s3 =	sld [smem:$0x3FFD];
	_ =	sdelay $0x3  }
0x96: {  	_ =	strace s3  }
0x97: {  	_ =	strace $0x8FFFFFFF  }
0x98: {  	s19 =	sld [smem:$0x3FDB];
	_ =	sdelay $0x1  }
0x99: {  	s4 =	simm.s32 $_scs_section_size  }
0x9a: {  	s5 =	simm.s32 $_size__tile_overlayer_lowered;
	s6 =	simm.s32 $_tile_overlayer_lowered  }
0x9b: {  	s22 =	simm.s32 $0x1BFF;
	s21 =	sshll.u32 s6, $0x1;
	s3 =	sadd.s32 s4, s19  }
0x9c: {  	s7 =	simm.s32 $0x0;
	s20 =	sshll.u32 s5, $0x1;
	s5 =	sadd.s32 s21, s3  }
0x9d: {  	[timem:s7], [sflag:s22] =	dma.local [hbm:s5], s20  }
0x9e: {  	_ =	swait.ge [sflag:s22], s20  }
0x9f: {  	s4 =	ssub.s32 $0x0, s20;
	[sflag:s22] =	ssyncset.done $0x0  }
0xa0: {  	[sflag:s22] =	ssyncadd.s32 s4;
	_ =	sdelay $0x1  }
0xa1: {  	s23 =	simm.s32 $0x1B8B  }
0xa2: {  	_ =	swait.ge [sflag:s23], $0x1  }
0xa3: {  	[sflag:s23] =	ssyncset.done $0x0  }
0xa4: {  	s25 =	simm.s32 $0x1B8E;
	s24 =	sld [smem:$0x3FFE];
	[sflag:s23] =	ssyncadd.s32 $0xFFFFFFFF  }
0xa5: {  	s26 =	simm.s32 $execute0_lowered;
	[smem:$0x3FD2] =	sst s25  }
0xa6: {  	s5 =	sshll.u32 s26, $0x1;
	_ =	strace $0x80000046;
	[dreg:$0x1] =	wrdreg $0xFFFFFFFF  }
0xa7: {  	s28 =	simm.s32 $_size_execute0_lowered;
	s3 =	sadd.s32 s3, s5;
	[dreg:$0x0] =	wrdreg $0x0  }
0xa8: {  	s5 =	sshll.u32 s28, $0x1;
	[dreg:$0x2] =	wrdreg s3  }
0xa9: {  	[dreg:$0x3] =	wrdreg s5  }
0xaa: {  	[dreg:$0x4] =	wrdreg $0xC0  }
0xab: {  	_ =	task [dreg:s7], $0x5FFFF  }
0xac: {  	[dreg:$0x1] =	wrdreg $0xFFFFFFFF  }
0xad: {  	[dreg:$0x0] =	wrdreg $0x60  }
0xae: {  	[dreg:$0x2] =	wrdreg s2  }
0xaf: {  	[dreg:$0x3] =	wrdreg s24  }
0xb0: {  	[dreg:$0x4] =	wrdreg $0x9  }
0xb1: {  	_ =	task.clear_ibuf [dreg:s7], $0x5FFFF;
	_ =	strace $0x90000046  }
0xb2: {  	s29 =	simm.s32 $0x9;
	_ =	strace $0x80000048  }
0xb3: {  	_ =	swait.ge [sflag:s29], $0x1  }
0xb4: {  	[sflag:s29] =	ssyncadd.s32 $0xFFFFFFFF  }
0xb5: {  	_ =	strace $0x90000048  }
0xb6: {  	_ =	sfence  }
0xb7: {  	s30 =	sld [smem:$0x0];
	_ =	sdelay $0x2  }
0xb8: {  	s31 =	sshll.u32 s1, $0xD;
	s1 =	sshrl.u32 s1, $0x2  }
0xb9: {  	s3 =	sand.u32 $0x4000, s31;
	s1 =	sadd.s32 s1, s30  }
0xba: {  	s0 =	sor.u32 s3, s0;
	s1 =	sshll.u32 s1, $0x11  }
0xbb: {  	s0 =	sor.u32 s1, s0  }
0xbc: {  	s0 =	sadd.s32 $0x8F2B, s0  }
0xbd: {  	[sflag:s0] =	ssyncadd.remote.s32 $0x1  }
0xbe: {  	_ =	sfence.sel $0xFFFF  }
0xbf: {  	[dreg:$0x0] =	wrdreg $0xFFFFFFFF;
	(pc) =	sbr.abs _section_cstart, $3  }
0xc0: {  	[dreg:$0x1] =	wrdreg $0xFFFFFFFF  }
0xc1: {  	_ =	task.clear_ibuf [dreg:s7], $0x2FFFF;
	_ =	strace $0x9FFFFFFF  }
0xc2: {  	(tm) =	ssettm $0x7FFFFFFF  }
0xc3: {  	_ =	shalt  }
tec
execute0_lowered:
.L_overlay_start_1:
0x0: {  	(tag) =	ssettag $0x1  }
0x1: {  	s1 =	srdreg.scid;
	s0 =	stileid.u32  }
0x2: {  	s1 =	sand.u32 $0x1, s1;
	s2 =	sshll.u32 s0, $0x1  }
0x3: {  	s5 =	sor.u32 s1, s2  }
0x4: {  	s3 =	rddreg [dreg:$0x0];
	s6 =	smul.u32 $0x320, s5  }
0x5: {  	s4 =	rddreg [dreg:$0x1];
	s2 =	simm.s32 $0x0;
	s7 =	smul.u32 $0xC8000, s5  }
0x6: {  	[smem:$0x7FF] =	sst s2;
	s5 =	smul.u32 $0x19000, s5  }
0x7: {  	s8 =	sadd.s32 $0xA00, s4;
	_ =	strace $0x80000047;
	s3 =	sadd.s32 s3, s6  }
0x8: {  	s14 =	sshrl.u32 s7, $0x3;
	s15 =	sadd.s32 s8, s5;
	[dreg:$0x3] =	wrdreg s3  }
0x9: {  	s31 =	sadd.s32 s8, s14;
	[dreg:$0x4] =	wrdreg s15  }
0xa: {  	s16 =	sadd.s32 $0x1900, s31;
	s25 =	rddreg [dreg:$0x3]  }
0xb: {  	s17 =	sadd.s32 $0x3200, s31;
	[dreg:$0x5] =	wrdreg s16  }
0xc: {  	s18 =	sadd.s32 $0x4B00, s31;
	[dreg:$0x6] =	wrdreg s17  }
0xd: {  	s19 =	sadd.s32 $0x6400, s31;
	[dreg:$0x7] =	wrdreg s18  }
0xe: {  	s20 =	sadd.s32 $0x7D00, s31;
	[dreg:$0x8] =	wrdreg s19  }
0xf: {  	s21 =	sadd.s32 $0x9600, s31;
	[dreg:$0x9] =	wrdreg s20  }
0x10: {  	s22 =	sadd.s32 $0xAF00, s31;
	[dreg:$0xa] =	wrdreg s21  }
0x11: {  	s23 =	sadd.s32 $0xC800, s31;
	[dreg:$0xb] =	wrdreg s22  }
0x12: {  	s24 =	sadd.s32 $0xE100, s31;
	[dreg:$0xc] =	wrdreg s23  }
0x13: {  	s26 =	sadd.s32 $0xFA00, s31;
	[dreg:$0xd] =	wrdreg s24  }
0x14: {  	s3 =	simm.s32 $0x5;
	[dreg:$0xe] =	wrdreg s26  }
0x15: {  	[tilespmem:s2], [sflag:$0x5] =	stream.linear.gather [hbm4b:s25+s2], $0x1900, $0x38;
	[tilespmem:$0x1A900] =	vst v63  }
0x16: {  	_ =	swait.ge [sflag:s3], $0x1900  }
0x17: {  	s4 =	sadd.s32 $0xF42E00, s4;
	[sflag:s3] =	ssyncset.done $0x0  }
0x18: {  	s5 =	simm.s32 $0x190;
	s6 =	simm.s32 $0x1900;
	[sflag:s3] =	ssyncadd.s32 $0xFFFFE700  }
0x19: {  	[tilespmem:s6], [sflag:$0x1] =	stream.indirect.gather [hbm4b:s4+s5], $0x80, s2, s5, $0xb8;
	[tilespmem:$0x1A900] =	vst v63  }
0x1a: {  	s7 =	simm.s32 $0xE100;
	s8 =	simm.s32 $0x1  }
0x1b: {  	[tilespmem:s7], [sflag:$0x2] =	stream.indirect.gather [hbm4b:s4+s5], $0x80, s5, s5, $0xb8;
	[tilespmem:$0x1A900] =	vst v63  }
0x1c: {  	_ =	swait.ge [sflag:s8], $0xC800  }
0x1d: {  	[sflag:s8] =	ssyncset.done $0x0  }
0x1e: {  	s9 =	simm.s32 $0x3;
	s10 =	rddreg [dreg:$0x4];
	[sflag:s8] =	ssyncadd.s32 $0xFFFF3800  }
0x1f: {  	[hbm4b:s10+s2] =	stream.linear.scatter [tilespmem:s6], [sflag:$0x3], $0xC800, $0x38;
	[tilespmem:$0x1A900] =	vst v63  }
0x20: {  	_ =	swait.ge [sflag:s9], $0xC800  }
0x21: {  	[sflag:s9] =	ssyncset.done $0x0  }
0x22: {  	s11 =	simm.s32 $0x2;
	s10 =	simm.s32 $0x320;
	[sflag:s9] =	ssyncadd.s32 $0xFFFF3800  }
0x23: {  	[tilespmem:s6], [sflag:$0x1] =	stream.indirect.gather [hbm4b:s4+s5], $0x80, s10, s5, $0xb8;
	[tilespmem:$0x1A900] =	vst v63  }
0x24: {  	_ =	swait.ge [sflag:s11], $0xC800  }
0x25: {  	[sflag:s11] =	ssyncset.done $0x0  }
0x26: {  	s12 =	simm.s32 $0x4;
	s13 =	rddreg [dreg:$0x5];
	[sflag:s11] =	ssyncadd.s32 $0xFFFF3800  }
0x27: {  	[hbm4b:s13+s2] =	stream.linear.scatter [tilespmem:s7], [sflag:$0x4], $0xC800, $0x38;
	[tilespmem:$0x1A900] =	vst v63  }
0x28: {  	_ =	swait.ge [sflag:s12], $0xC800  }
0x29: {  	[sflag:s12] =	ssyncset.done $0x0  }
0x2a: {  	s13 =	simm.s32 $0x4B0;
	[sflag:s12] =	ssyncadd.s32 $0xFFFF3800  }
0x2b: {  	[tilespmem:s7], [sflag:$0x2] =	stream.indirect.gather [hbm4b:s4+s5], $0x80, s13, s5, $0xb8;
	[tilespmem:$0x1A900] =	vst v63  }
0x2c: {  	_ =	swait.ge [sflag:s8], $0xC800  }
0x2d: {  	[sflag:s8] =	ssyncset.done $0x0  }
0x2e: {  	s14 =	rddreg [dreg:$0x6];
	[sflag:s8] =	ssyncadd.s32 $0xFFFF3800  }
0x2f: {  	[hbm4b:s14+s2] =	stream.linear.scatter [tilespmem:s6], [sflag:$0x3], $0xC800, $0x38;
	[tilespmem:$0x1A900] =	vst v63  }
0x30: {  	_ =	swait.ge [sflag:s9], $0xC800  }
0x31: {  	[sflag:s9] =	ssyncset.done $0x0  }
0x32: {  	s14 =	simm.s32 $0x640;
	[sflag:s9] =	ssyncadd.s32 $0xFFFF3800  }
0x33: {  	[tilespmem:s6], [sflag:$0x1] =	stream.indirect.gather [hbm4b:s4+s5], $0x80, s14, s5, $0xb8;
	[tilespmem:$0x1A900] =	vst v63  }
0x34: {  	_ =	swait.ge [sflag:s11], $0xC800  }
0x35: {  	[sflag:s11] =	ssyncset.done $0x0  }
0x36: {  	s15 =	rddreg [dreg:$0x7];
	[sflag:s11] =	ssyncadd.s32 $0xFFFF3800  }
0x37: {  	[hbm4b:s15+s2] =	stream.linear.scatter [tilespmem:s7], [sflag:$0x4], $0xC800, $0x38;
	[tilespmem:$0x1A900] =	vst v63  }
0x38: {  	_ =	swait.ge [sflag:s12], $0xC800  }
0x39: {  	[sflag:s12] =	ssyncset.done $0x0  }
0x3a: {  	s15 =	simm.s32 $0x7D0;
	[sflag:s12] =	ssyncadd.s32 $0xFFFF3800  }
0x3b: {  	[tilespmem:s7], [sflag:$0x2] =	stream.indirect.gather [hbm4b:s4+s5], $0x80, s15, s5, $0xb8;
	[tilespmem:$0x1A900] =	vst v63  }
0x3c: {  	_ =	swait.ge [sflag:s8], $0xC800  }
0x3d: {  	[sflag:s8] =	ssyncset.done $0x0  }
0x3e: {  	s16 =	rddreg [dreg:$0x8];
	[sflag:s8] =	ssyncadd.s32 $0xFFFF3800  }
0x3f: {  	[hbm4b:s16+s2] =	stream.linear.scatter [tilespmem:s6], [sflag:$0x3], $0xC800, $0x38;
	[tilespmem:$0x1A900] =	vst v63  }
0x40: {  	_ =	swait.ge [sflag:s9], $0xC800  }
0x41: {  	[sflag:s9] =	ssyncset.done $0x0  }
0x42: {  	s16 =	simm.s32 $0x960;
	[sflag:s9] =	ssyncadd.s32 $0xFFFF3800  }
0x43: {  	[tilespmem:s6], [sflag:$0x1] =	stream.indirect.gather [hbm4b:s4+s5], $0x80, s16, s5, $0xb8;
	[tilespmem:$0x1A900] =	vst v63  }
0x44: {  	_ =	swait.ge [sflag:s11], $0xC800  }
0x45: {  	[sflag:s11] =	ssyncset.done $0x0  }
0x46: {  	s17 =	rddreg [dreg:$0x9];
	[sflag:s11] =	ssyncadd.s32 $0xFFFF3800  }
0x47: {  	[hbm4b:s17+s2] =	stream.linear.scatter [tilespmem:s7], [sflag:$0x4], $0xC800, $0x38;
	[tilespmem:$0x1A900] =	vst v63  }
0x48: {  	_ =	swait.ge [sflag:s12], $0xC800  }
0x49: {  	[sflag:s12] =	ssyncset.done $0x0  }
0x4a: {  	s17 =	simm.s32 $0xAF0;
	[sflag:s12] =	ssyncadd.s32 $0xFFFF3800  }
0x4b: {  	[tilespmem:s7], [sflag:$0x2] =	stream.indirect.gather [hbm4b:s4+s5], $0x80, s17, s5, $0xb8;
	[tilespmem:$0x1A900] =	vst v63  }
0x4c: {  	_ =	swait.ge [sflag:s8], $0xC800  }
0x4d: {  	[sflag:s8] =	ssyncset.done $0x0  }
0x4e: {  	s18 =	rddreg [dreg:$0xa];
	[sflag:s8] =	ssyncadd.s32 $0xFFFF3800  }
0x4f: {  	[hbm4b:s18+s2] =	stream.linear.scatter [tilespmem:s6], [sflag:$0x3], $0xC800, $0x38;
	[tilespmem:$0x1A900] =	vst v63  }
0x50: {  	_ =	swait.ge [sflag:s9], $0xC800  }
0x51: {  	[sflag:s9] =	ssyncset.done $0x0  }
0x52: {  	s18 =	simm.s32 $0xC80;
	[sflag:s9] =	ssyncadd.s32 $0xFFFF3800  }
0x53: {  	[tilespmem:s6], [sflag:$0x1] =	stream.indirect.gather [hbm4b:s4+s5], $0x80, s18, s5, $0xb8;
	[tilespmem:$0x1A900] =	vst v63  }
0x54: {  	_ =	swait.ge [sflag:s11], $0xC800  }
0x55: {  	[sflag:s11] =	ssyncset.done $0x0  }
0x56: {  	s19 =	rddreg [dreg:$0xb];
	[sflag:s11] =	ssyncadd.s32 $0xFFFF3800  }
0x57: {  	[hbm4b:s19+s2] =	stream.linear.scatter [tilespmem:s7], [sflag:$0x4], $0xC800, $0x38;
	[tilespmem:$0x1A900] =	vst v63  }
0x58: {  	_ =	swait.ge [sflag:s12], $0xC800  }
0x59: {  	[sflag:s12] =	ssyncset.done $0x0  }
0x5a: {  	s19 =	simm.s32 $0xE10;
	[sflag:s12] =	ssyncadd.s32 $0xFFFF3800  }
0x5b: {  	[tilespmem:s7], [sflag:$0x2] =	stream.indirect.gather [hbm4b:s4+s5], $0x80, s19, s5, $0xb8;
	[tilespmem:$0x1A900] =	vst v63  }
0x5c: {  	_ =	swait.ge [sflag:s8], $0xC800  }
0x5d: {  	[sflag:s8] =	ssyncset.done $0x0  }
0x5e: {  	s20 =	rddreg [dreg:$0xc];
	[sflag:s8] =	ssyncadd.s32 $0xFFFF3800  }
0x5f: {  	[hbm4b:s20+s2] =	stream.linear.scatter [tilespmem:s6], [sflag:$0x3], $0xC800, $0x38;
	[tilespmem:$0x1A900] =	vst v63  }
0x60: {  	_ =	swait.ge [sflag:s9], $0xC800  }
0x61: {  	[sflag:s9] =	ssyncset.done $0x0  }
0x62: {  	s20 =	simm.s32 $0xFA0;
	[sflag:s9] =	ssyncadd.s32 $0xFFFF3800  }
0x63: {  	[tilespmem:s6], [sflag:$0x1] =	stream.indirect.gather [hbm4b:s4+s5], $0x80, s20, s5, $0xb8;
	[tilespmem:$0x1A900] =	vst v63  }
0x64: {  	_ =	swait.ge [sflag:s11], $0xC800  }
0x65: {  	[sflag:s11] =	ssyncset.done $0x0  }
0x66: {  	s21 =	rddreg [dreg:$0xd];
	[sflag:s11] =	ssyncadd.s32 $0xFFFF3800  }
0x67: {  	[hbm4b:s21+s2] =	stream.linear.scatter [tilespmem:s7], [sflag:$0x4], $0xC800, $0x38;
	[tilespmem:$0x1A900] =	vst v63  }
0x68: {  	_ =	swait.ge [sflag:s12], $0xC800  }
0x69: {  	[sflag:s12] =	ssyncset.done $0x0  }
0x6a: {  	s21 =	simm.s32 $0x1130;
	[sflag:s12] =	ssyncadd.s32 $0xFFFF3800  }
0x6b: {  	[tilespmem:s7], [sflag:$0x2] =	stream.indirect.gather [hbm4b:s4+s5], $0x80, s21, s5, $0xb8;
	[tilespmem:$0x1A900] =	vst v63  }
0x6c: {  	_ =	swait.ge [sflag:s8], $0xC800  }
0x6d: {  	[sflag:s8] =	ssyncset.done $0x0  }
0x6e: {  	s22 =	rddreg [dreg:$0xe];
	[sflag:s8] =	ssyncadd.s32 $0xFFFF3800  }
0x6f: {  	[hbm4b:s22+s2] =	stream.linear.scatter [tilespmem:s6], [sflag:$0x3], $0xC800, $0x38;
	[tilespmem:$0x1A900] =	vst v63  }
0x70: {  	_ =	swait.ge [sflag:s9], $0xC800  }
0x71: {  	[sflag:s9] =	ssyncset.done $0x0  }
0x72: {  	s22 =	simm.s32 $0x12C0;
	[sflag:s9] =	ssyncadd.s32 $0xFFFF3800  }
0x73: {  	[tilespmem:s6], [sflag:$0x1] =	stream.indirect.gather [hbm4b:s4+s5], $0x80, s22, s5, $0xb8;
	[tilespmem:$0x1A900] =	vst v63  }
0x74: {  	_ =	swait.ge [sflag:s11], $0xC800  }
0x75: {  	[sflag:s11] =	ssyncset.done $0x0  }
0x76: {  	s23 =	sadd.s32 $0x11300, s31;
	[sflag:s11] =	ssyncadd.s32 $0xFFFF3800  }
0x77: {  	[hbm4b:s23+s2] =	stream.linear.scatter [tilespmem:s7], [sflag:$0x4], $0xC800, $0x38;
	[tilespmem:$0x1A900] =	vst v63  }
0x78: {  	_ =	swait.ge [sflag:s12], $0xC800  }
0x79: {  	[sflag:s12] =	ssyncset.done $0x0  }
0x7a: {  	s24 =	simm.s32 $0x1450;
	[sflag:s12] =	ssyncadd.s32 $0xFFFF3800  }
0x7b: {  	[tilespmem:s7], [sflag:$0x2] =	stream.indirect.gather [hbm4b:s4+s5], $0x80, s24, s5, $0xb8;
	[tilespmem:$0x1A900] =	vst v63  }
0x7c: {  	_ =	swait.ge [sflag:s8], $0xC800  }
0x7d: {  	[sflag:s8] =	ssyncset.done $0x0  }
0x7e: {  	s25 =	sadd.s32 $0x12C00, s31;
	[sflag:s8] =	ssyncadd.s32 $0xFFFF3800  }
0x7f: {  	[hbm4b:s25+s2] =	stream.linear.scatter [tilespmem:s6], [sflag:$0x3], $0xC800, $0x38;
	[tilespmem:$0x1A900] =	vst v63  }
0x80: {  	_ =	swait.ge [sflag:s9], $0xC800  }
0x81: {  	[sflag:s9] =	ssyncset.done $0x0  }
0x82: {  	s26 =	simm.s32 $0x15E0;
	[sflag:s9] =	ssyncadd.s32 $0xFFFF3800  }
0x83: {  	[tilespmem:s6], [sflag:$0x1] =	stream.indirect.gather [hbm4b:s4+s5], $0x80, s26, s5, $0xb8;
	[tilespmem:$0x1A900] =	vst v63  }
0x84: {  	_ =	swait.ge [sflag:s11], $0xC800  }
0x85: {  	[sflag:s11] =	ssyncset.done $0x0  }
0x86: {  	s28 =	sadd.s32 $0x14500, s31;
	[sflag:s11] =	ssyncadd.s32 $0xFFFF3800  }
0x87: {  	[hbm4b:s28+s2] =	stream.linear.scatter [tilespmem:s7], [sflag:$0x4], $0xC800, $0x38;
	[tilespmem:$0x1A900] =	vst v63  }
0x88: {  	_ =	swait.ge [sflag:s12], $0xC800  }
0x89: {  	[sflag:s12] =	ssyncset.done $0x0  }
0x8a: {  	s29 =	simm.s32 $0x1770;
	[sflag:s12] =	ssyncadd.s32 $0xFFFF3800  }
0x8b: {  	[tilespmem:s7], [sflag:$0x2] =	stream.indirect.gather [hbm4b:s4+s5], $0x80, s29, s5, $0xb8;
	[tilespmem:$0x1A900] =	vst v63  }
0x8c: {  	_ =	swait.ge [sflag:s8], $0xC800  }
0x8d: {  	s1 =	ssub.s32 $0x2, s1;
	[sflag:s8] =	ssyncset.done $0x0  }
0x8e: {  	s0 =	sshrl.u32 s1, $0x1;
	s30 =	sadd.s32 $0x15E00, s31;
	[sflag:s8] =	ssyncadd.s32 $0xFFFF3800  }
0x8f: {  	[hbm4b:s30+s2] =	stream.linear.scatter [tilespmem:s6], [sflag:$0x3], $0xC800, $0x38;
	[tilespmem:$0x1A900] =	vst v63  }
0x90: {  	s0 =	ssub.s32 s1, s0;
	_ =	swait.ge [sflag:s11], $0xC800  }
0x91: {  	s0 =	smax.u32 s0, $0x1;
	[sflag:s11] =	ssyncset.done $0x0  }
0x92: {  	p0 =	sne.s32 s0, $0x1;
	s31 =	sadd.s32 $0x17700, s31;
	[sflag:s11] =	ssyncadd.s32 $0xFFFF3800  }
0x93: {  	[hbm4b:s31+s2] =	stream.linear.scatter [tilespmem:s7], [sflag:$0x4], $0xC800, $0x38;
	[tilespmem:$0x1A900] =	vst v63  }
.Ltmp0:
0x94: {  	_ =	swait.ge [sflag:s9], $0xC800;
	(pc) =	sbr.rel @!p0 .LBB2_2-.Ltmp0, $4  }
0x95: {  	[sflag:s9] =	ssyncset.done $0x0  }
0x96: {  	[sflag:s9] =	ssyncadd.s32 $0xFFFF3800  }
0x97: {  	_ =	swait.ge [sflag:s12], $0xC800  }
0x98: {  	s1 =	sadd.s32 $0xFFFFFFFF, s0;
	[sflag:s12] =	ssyncset.done $0x0  }
.LBB2_1:
0x99: {  	s0 =	rddreg [dreg:$0x3];
	[sflag:s12] =	ssyncadd.s32 $0xFFFF3800  }
0x9a: {  	[tilespmem:s2], [sflag:$0x5] =	stream.linear.gather [hbm4b:s0+s2], $0x1900, $0x38;
	[tilespmem:$0x1A900] =	vst v63  }
0x9b: {  	_ =	swait.ge [sflag:s3], $0x1900  }
0x9c: {  	[sflag:s3] =	ssyncset.done $0x0  }
0x9d: {  	[sflag:s3] =	ssyncadd.s32 $0xFFFFE700  }
0x9e: {  	[tilespmem:s6], [sflag:$0x1] =	stream.indirect.gather [hbm4b:s4+s5], $0x80, s2, s5, $0xb8;
	[tilespmem:$0x1A900] =	vst v63  }
0x9f: {  	_ = 	snop  }
0xa0: {  	[tilespmem:s7], [sflag:$0x2] =	stream.indirect.gather [hbm4b:s4+s5], $0x80, s5, s5, $0xb8;
	[tilespmem:$0x1A900] =	vst v63  }
0xa1: {  	_ =	swait.ge [sflag:s8], $0xC800  }
0xa2: {  	[sflag:s8] =	ssyncset.done $0x0  }
0xa3: {  	s0 =	rddreg [dreg:$0x4];
	[sflag:s8] =	ssyncadd.s32 $0xFFFF3800  }
0xa4: {  	[hbm4b:s0+s2] =	stream.linear.scatter [tilespmem:s6], [sflag:$0x3], $0xC800, $0x38;
	[tilespmem:$0x1A900] =	vst v63  }
0xa5: {  	_ =	swait.ge [sflag:s9], $0xC800  }
0xa6: {  	[sflag:s9] =	ssyncset.done $0x0  }
0xa7: {  	[sflag:s9] =	ssyncadd.s32 $0xFFFF3800  }
0xa8: {  	[tilespmem:s6], [sflag:$0x1] =	stream.indirect.gather [hbm4b:s4+s5], $0x80, s10, s5, $0xb8;
	[tilespmem:$0x1A900] =	vst v63  }
0xa9: {  	_ =	swait.ge [sflag:s11], $0xC800  }
0xaa: {  	[sflag:s11] =	ssyncset.done $0x0  }
0xab: {  	s0 =	rddreg [dreg:$0x5];
	[sflag:s11] =	ssyncadd.s32 $0xFFFF3800  }
0xac: {  	[hbm4b:s0+s2] =	stream.linear.scatter [tilespmem:s7], [sflag:$0x4], $0xC800, $0x38;
	[tilespmem:$0x1A900] =	vst v63  }
0xad: {  	_ =	swait.ge [sflag:s12], $0xC800  }
0xae: {  	[sflag:s12] =	ssyncset.done $0x0  }
0xaf: {  	[sflag:s12] =	ssyncadd.s32 $0xFFFF3800  }
0xb0: {  	[tilespmem:s7], [sflag:$0x2] =	stream.indirect.gather [hbm4b:s4+s5], $0x80, s13, s5, $0xb8;
	[tilespmem:$0x1A900] =	vst v63  }
0xb1: {  	_ =	swait.ge [sflag:s8], $0xC800  }
0xb2: {  	[sflag:s8] =	ssyncset.done $0x0  }
0xb3: {  	s0 =	rddreg [dreg:$0x6];
	[sflag:s8] =	ssyncadd.s32 $0xFFFF3800  }
0xb4: {  	[hbm4b:s0+s2] =	stream.linear.scatter [tilespmem:s6], [sflag:$0x3], $0xC800, $0x38;
	[tilespmem:$0x1A900] =	vst v63  }
0xb5: {  	_ =	swait.ge [sflag:s9], $0xC800  }
0xb6: {  	[sflag:s9] =	ssyncset.done $0x0  }
0xb7: {  	[sflag:s9] =	ssyncadd.s32 $0xFFFF3800  }
0xb8: {  	[tilespmem:s6], [sflag:$0x1] =	stream.indirect.gather [hbm4b:s4+s5], $0x80, s14, s5, $0xb8;
	[tilespmem:$0x1A900] =	vst v63  }
0xb9: {  	_ =	swait.ge [sflag:s11], $0xC800  }
0xba: {  	[sflag:s11] =	ssyncset.done $0x0  }
0xbb: {  	s0 =	rddreg [dreg:$0x7];
	[sflag:s11] =	ssyncadd.s32 $0xFFFF3800  }
0xbc: {  	[hbm4b:s0+s2] =	stream.linear.scatter [tilespmem:s7], [sflag:$0x4], $0xC800, $0x38;
	[tilespmem:$0x1A900] =	vst v63  }
0xbd: {  	_ =	swait.ge [sflag:s12], $0xC800  }
0xbe: {  	[sflag:s12] =	ssyncset.done $0x0  }
0xbf: {  	[sflag:s12] =	ssyncadd.s32 $0xFFFF3800  }
0xc0: {  	[tilespmem:s7], [sflag:$0x2] =	stream.indirect.gather [hbm4b:s4+s5], $0x80, s15, s5, $0xb8;
	[tilespmem:$0x1A900] =	vst v63  }
0xc1: {  	_ =	swait.ge [sflag:s8], $0xC800  }
0xc2: {  	[sflag:s8] =	ssyncset.done $0x0  }
0xc3: {  	s0 =	rddreg [dreg:$0x8];
	[sflag:s8] =	ssyncadd.s32 $0xFFFF3800  }
0xc4: {  	[hbm4b:s0+s2] =	stream.linear.scatter [tilespmem:s6], [sflag:$0x3], $0xC800, $0x38;
	[tilespmem:$0x1A900] =	vst v63  }
0xc5: {  	_ =	swait.ge [sflag:s9], $0xC800  }
0xc6: {  	[sflag:s9] =	ssyncset.done $0x0  }
0xc7: {  	[sflag:s9] =	ssyncadd.s32 $0xFFFF3800  }
0xc8: {  	[tilespmem:s6], [sflag:$0x1] =	stream.indirect.gather [hbm4b:s4+s5], $0x80, s16, s5, $0xb8;
	[tilespmem:$0x1A900] =	vst v63  }
0xc9: {  	_ =	swait.ge [sflag:s11], $0xC800  }
0xca: {  	[sflag:s11] =	ssyncset.done $0x0  }
0xcb: {  	s0 =	rddreg [dreg:$0x9];
	[sflag:s11] =	ssyncadd.s32 $0xFFFF3800  }
0xcc: {  	[hbm4b:s0+s2] =	stream.linear.scatter [tilespmem:s7], [sflag:$0x4], $0xC800, $0x38;
	[tilespmem:$0x1A900] =	vst v63  }
0xcd: {  	_ =	swait.ge [sflag:s12], $0xC800  }
0xce: {  	[sflag:s12] =	ssyncset.done $0x0  }
0xcf: {  	[sflag:s12] =	ssyncadd.s32 $0xFFFF3800  }
0xd0: {  	[tilespmem:s7], [sflag:$0x2] =	stream.indirect.gather [hbm4b:s4+s5], $0x80, s17, s5, $0xb8;
	[tilespmem:$0x1A900] =	vst v63  }
0xd1: {  	_ =	swait.ge [sflag:s8], $0xC800  }
0xd2: {  	[sflag:s8] =	ssyncset.done $0x0  }
0xd3: {  	s0 =	rddreg [dreg:$0xa];
	[sflag:s8] =	ssyncadd.s32 $0xFFFF3800  }
0xd4: {  	[hbm4b:s0+s2] =	stream.linear.scatter [tilespmem:s6], [sflag:$0x3], $0xC800, $0x38;
	[tilespmem:$0x1A900] =	vst v63  }
0xd5: {  	_ =	swait.ge [sflag:s9], $0xC800  }
0xd6: {  	[sflag:s9] =	ssyncset.done $0x0  }
0xd7: {  	[sflag:s9] =	ssyncadd.s32 $0xFFFF3800  }
0xd8: {  	[tilespmem:s6], [sflag:$0x1] =	stream.indirect.gather [hbm4b:s4+s5], $0x80, s18, s5, $0xb8;
	[tilespmem:$0x1A900] =	vst v63  }
0xd9: {  	_ =	swait.ge [sflag:s11], $0xC800  }
0xda: {  	[sflag:s11] =	ssyncset.done $0x0  }
0xdb: {  	s0 =	rddreg [dreg:$0xb];
	[sflag:s11] =	ssyncadd.s32 $0xFFFF3800  }
0xdc: {  	[hbm4b:s0+s2] =	stream.linear.scatter [tilespmem:s7], [sflag:$0x4], $0xC800, $0x38;
	[tilespmem:$0x1A900] =	vst v63  }
0xdd: {  	_ =	swait.ge [sflag:s12], $0xC800  }
0xde: {  	[sflag:s12] =	ssyncset.done $0x0  }
0xdf: {  	[sflag:s12] =	ssyncadd.s32 $0xFFFF3800  }
0xe0: {  	[tilespmem:s7], [sflag:$0x2] =	stream.indirect.gather [hbm4b:s4+s5], $0x80, s19, s5, $0xb8;
	[tilespmem:$0x1A900] =	vst v63  }
0xe1: {  	_ =	swait.ge [sflag:s8], $0xC800  }
0xe2: {  	[sflag:s8] =	ssyncset.done $0x0  }
0xe3: {  	s0 =	rddreg [dreg:$0xc];
	[sflag:s8] =	ssyncadd.s32 $0xFFFF3800  }
0xe4: {  	[hbm4b:s0+s2] =	stream.linear.scatter [tilespmem:s6], [sflag:$0x3], $0xC800, $0x38;
	[tilespmem:$0x1A900] =	vst v63  }
0xe5: {  	_ =	swait.ge [sflag:s9], $0xC800  }
0xe6: {  	[sflag:s9] =	ssyncset.done $0x0  }
0xe7: {  	[sflag:s9] =	ssyncadd.s32 $0xFFFF3800  }
0xe8: {  	[tilespmem:s6], [sflag:$0x1] =	stream.indirect.gather [hbm4b:s4+s5], $0x80, s20, s5, $0xb8;
	[tilespmem:$0x1A900] =	vst v63  }
0xe9: {  	_ =	swait.ge [sflag:s11], $0xC800  }
0xea: {  	[sflag:s11] =	ssyncset.done $0x0  }
0xeb: {  	s0 =	rddreg [dreg:$0xd];
	[sflag:s11] =	ssyncadd.s32 $0xFFFF3800  }
0xec: {  	[hbm4b:s0+s2] =	stream.linear.scatter [tilespmem:s7], [sflag:$0x4], $0xC800, $0x38;
	[tilespmem:$0x1A900] =	vst v63  }
0xed: {  	_ =	swait.ge [sflag:s12], $0xC800  }
0xee: {  	[sflag:s12] =	ssyncset.done $0x0  }
0xef: {  	[sflag:s12] =	ssyncadd.s32 $0xFFFF3800  }
0xf0: {  	[tilespmem:s7], [sflag:$0x2] =	stream.indirect.gather [hbm4b:s4+s5], $0x80, s21, s5, $0xb8;
	[tilespmem:$0x1A900] =	vst v63  }
0xf1: {  	_ =	swait.ge [sflag:s8], $0xC800  }
0xf2: {  	[sflag:s8] =	ssyncset.done $0x0  }
0xf3: {  	s0 =	rddreg [dreg:$0xe];
	[sflag:s8] =	ssyncadd.s32 $0xFFFF3800  }
0xf4: {  	[hbm4b:s0+s2] =	stream.linear.scatter [tilespmem:s6], [sflag:$0x3], $0xC800, $0x38;
	[tilespmem:$0x1A900] =	vst v63  }
0xf5: {  	_ =	swait.ge [sflag:s9], $0xC800  }
0xf6: {  	[sflag:s9] =	ssyncset.done $0x0  }
0xf7: {  	[sflag:s9] =	ssyncadd.s32 $0xFFFF3800  }
0xf8: {  	[tilespmem:s6], [sflag:$0x1] =	stream.indirect.gather [hbm4b:s4+s5], $0x80, s22, s5, $0xb8;
	[tilespmem:$0x1A900] =	vst v63  }
0xf9: {  	_ =	swait.ge [sflag:s11], $0xC800  }
0xfa: {  	[sflag:s11] =	ssyncset.done $0x0  }
0xfb: {  	[sflag:s11] =	ssyncadd.s32 $0xFFFF3800  }
0xfc: {  	[hbm4b:s23+s2] =	stream.linear.scatter [tilespmem:s7], [sflag:$0x4], $0xC800, $0x38;
	[tilespmem:$0x1A900] =	vst v63  }
0xfd: {  	_ =	swait.ge [sflag:s12], $0xC800  }
0xfe: {  	[sflag:s12] =	ssyncset.done $0x0  }
0xff: {  	[sflag:s12] =	ssyncadd.s32 $0xFFFF3800  }
0x100: {  	[tilespmem:s7], [sflag:$0x2] =	stream.indirect.gather [hbm4b:s4+s5], $0x80, s24, s5, $0xb8;
	[tilespmem:$0x1A900] =	vst v63  }
0x101: {  	_ =	swait.ge [sflag:s8], $0xC800  }
0x102: {  	[sflag:s8] =	ssyncset.done $0x0  }
0x103: {  	[sflag:s8] =	ssyncadd.s32 $0xFFFF3800  }
0x104: {  	[hbm4b:s25+s2] =	stream.linear.scatter [tilespmem:s6], [sflag:$0x3], $0xC800, $0x38;
	[tilespmem:$0x1A900] =	vst v63  }
0x105: {  	_ =	swait.ge [sflag:s9], $0xC800  }
0x106: {  	[sflag:s9] =	ssyncset.done $0x0  }
0x107: {  	[sflag:s9] =	ssyncadd.s32 $0xFFFF3800  }
0x108: {  	[tilespmem:s6], [sflag:$0x1] =	stream.indirect.gather [hbm4b:s4+s5], $0x80, s26, s5, $0xb8;
	[tilespmem:$0x1A900] =	vst v63  }
0x109: {  	_ =	swait.ge [sflag:s11], $0xC800  }
0x10a: {  	[sflag:s11] =	ssyncset.done $0x0  }
0x10b: {  	[sflag:s11] =	ssyncadd.s32 $0xFFFF3800  }
0x10c: {  	[hbm4b:s28+s2] =	stream.linear.scatter [tilespmem:s7], [sflag:$0x4], $0xC800, $0x38;
	[tilespmem:$0x1A900] =	vst v63  }
0x10d: {  	_ =	swait.ge [sflag:s12], $0xC800  }
0x10e: {  	[sflag:s12] =	ssyncset.done $0x0  }
0x10f: {  	[sflag:s12] =	ssyncadd.s32 $0xFFFF3800  }
0x110: {  	[tilespmem:s7], [sflag:$0x2] =	stream.indirect.gather [hbm4b:s4+s5], $0x80, s29, s5, $0xb8;
	[tilespmem:$0x1A900] =	vst v63  }
0x111: {  	_ =	swait.ge [sflag:s8], $0xC800  }
0x112: {  	[sflag:s8] =	ssyncset.done $0x0  }
0x113: {  	[sflag:s8] =	ssyncadd.s32 $0xFFFF3800  }
0x114: {  	[hbm4b:s30+s2] =	stream.linear.scatter [tilespmem:s6], [sflag:$0x3], $0xC800, $0x38;
	[tilespmem:$0x1A900] =	vst v63  }
0x115: {  	_ =	swait.ge [sflag:s11], $0xC800  }
0x116: {  	[sflag:s11] =	ssyncset.done $0x0  }
0x117: {  	p0 =	sne.s32 s1, $0x1;
	[sflag:s11] =	ssyncadd.s32 $0xFFFF3800  }
0x118: {  	[hbm4b:s31+s2] =	stream.linear.scatter [tilespmem:s7], [sflag:$0x4], $0xC800, $0x38;
	[tilespmem:$0x1A900] =	vst v63  }
.Ltmp1:
0x119: {  	_ =	swait.ge [sflag:s9], $0xC800;
	(pc) =	sbr.rel @p0 .LBB2_1-.Ltmp1, $4  }
0x11a: {  	[sflag:s9] =	ssyncset.done $0x0  }
0x11b: {  	[sflag:s9] =	ssyncadd.s32 $0xFFFF3800  }
0x11c: {  	_ =	swait.ge [sflag:s12], $0xC800  }
0x11d: {  	s1 =	sadd.s32 $0xFFFFFFFF, s1;
	[sflag:s12] =	ssyncset.done $0x0  }
.LBB2_2:
0x11e: {  	[sflag:s12] =	ssyncadd.s32 $0xFFFF3800  }
0x11f: {  	_ =	sfence.sel $0x180000  }
0x120: {  	[bflag:$0x0] =	sbarrier.arrive $0xFFFF  }
0x121: {  	_ =	strace $0x90000047  }
0x122: {  	s0 =	stileid.u32;
	[bflag:$0x2] =	sbarrier.arrive $0xFFFF  }
0x123: {  	p0 =	sne.s32 s0, $0x0;
	s0 =	rddreg [dreg:$0x2]  }
0x124: {  	s0 =	sadd.s32 @!p0 $0x100000, s0  }
0x125: {  	[sflag:s0] =	ssyncadd.tile.s32 @!p0 $0x1;
	_ =	shalt  }
.Lfunc_end2:
_tile_overlayer_lowered:
.L_overlay_start_2:
0x126: {  	(tag) =	ssettag $0x2  }
0x127: {  	s0 =	rddreg [dreg:$0x0];
	s2 =	stileid.u32  }
0x128: {  	s1 =	rddreg [dreg:$0x1];
	p0 =	sne.s32 s2, $0x0  }
0x129: {  	s3 =	rddreg [dreg:$0x2];
	[bflag:$0x3] =	sbarrier.arrive $0xFFFF;
	s2 =	simm.s32 @!p0 $0x1C05  }
0x12a: {  	[timem:s3], [sflag:s2] =	dma.local @!p0 [hbm:s0], s1  }
0x12b: {  	s0 =	simm.s32 @!p0 $0x5  }
0x12c: {  	_ =	swait.ge @!p0 [sflag:s0], s1  }
0x12d: {  	s1 =	ssub.s32 @!p0 $0x0, s1;
	[sflag:s0] =	ssyncset.done @!p0 $0x0  }
0x12e: {  	[sflag:s0] =	ssyncadd.s32 @!p0 s1  }
0x12f: {  	[bflag:$0x3] =	sbarrier.arrive $0xFFFF  }
0x130: {  	_ =	shalt  }

// kernel: sparse-core-data-format-call.cloned.1.call-start
scs
called_computation_lowered:
.L_overlay_start_0:
0x0: {  	s2 =	sld [smem:$0x3FD9]  }
0x1: {  	s3 =	sld [smem:$0x3FFE];
	_ =	sdelay $0x1  }
0x2: {  	s1 =	srdreg.scid  }
0x3: {  	s0 =	sand.u32 $0x1, s1  }
0x4: {  	s18 =	sshll.u32 s0, $0xA;
	s2 =	sadd.s32 s3, s2  }
0x5: {  	s2 =	sadd.s32 s2, s18  }
0x6: {  	[smem:$0x3FC6] =	sst s2  }
0x7: {  	_ = 	snop  }
0x8: {  	s2 =	sld [smem:$0x3FD0];
	(tm) =	ssettm $0x1  }
0x9: {  	s19 =	sld [smem:$0x3FFB];
	_ =	sdelay $0x3  }
0xa: {  	_ =	strace s19  }
0xb: {  	s3 =	sld [smem:$0x3FFC];
	_ =	sdelay $0x3  }
0xc: {  	_ =	strace s3  }
0xd: {  	s3 =	sld [smem:$0x3FFD];
	_ =	sdelay $0x3  }
0xe: {  	_ =	strace s3  }
0xf: {  	_ =	strace $0x8FFFFFFF  }
0x10: {  	s20 =	sld [smem:$0x3FDB];
	_ =	sdelay $0x1  }
0x11: {  	s4 =	simm.s32 $_scs_section_size  }
0x12: {  	s5 =	simm.s32 $_size__tile_overlayer_lowered;
	s6 =	simm.s32 $_tile_overlayer_lowered  }
0x13: {  	s23 =	simm.s32 $0x1BFF;
	s22 =	sshll.u32 s6, $0x1;
	s3 =	sadd.s32 s4, s20  }
0x14: {  	s7 =	simm.s32 $0x0;
	s21 =	sshll.u32 s5, $0x1;
	s5 =	sadd.s32 s22, s3  }
0x15: {  	[timem:s7], [sflag:s23] =	dma.local [hbm:s5], s21  }
0x16: {  	_ =	swait.ge [sflag:s23], s21  }
0x17: {  	s4 =	ssub.s32 $0x0, s21;
	[sflag:s23] =	ssyncset.done $0x0  }
0x18: {  	[sflag:s23] =	ssyncadd.s32 s4;
	_ =	sdelay $0x1  }
0x19: {  	s24 =	simm.s32 $0x1B8B  }
0x1a: {  	_ =	swait.ge [sflag:s24], $0x1  }
0x1b: {  	[sflag:s24] =	ssyncset.done $0x0  }
0x1c: {  	s26 =	simm.s32 $0x1B8E;
	s25 =	sld [smem:$0x3FFE];
	[sflag:s24] =	ssyncadd.s32 $0xFFFFFFFF  }
0x1d: {  	s27 =	simm.s32 $execute0_lowered;
	[smem:$0x3FD2] =	sst s26  }
0x1e: {  	s5 =	sshll.u32 s27, $0x1;
	_ =	strace $0x80000049;
	[dreg:$0x1] =	wrdreg $0xFFFFFFFF  }
0x1f: {  	s28 =	simm.s32 $_size_execute0_lowered;
	s3 =	sadd.s32 s3, s5;
	[dreg:$0x0] =	wrdreg $0x0  }
0x20: {  	s5 =	sshll.u32 s28, $0x1;
	[dreg:$0x2] =	wrdreg s3  }
0x21: {  	[dreg:$0x3] =	wrdreg s5  }
0x22: {  	[dreg:$0x4] =	wrdreg $0xC0  }
0x23: {  	_ =	task [dreg:s7], $0x5FFFF  }
0x24: {  	[dreg:$0x1] =	wrdreg $0xFFFFFFFF  }
0x25: {  	[dreg:$0x0] =	wrdreg $0x60  }
0x26: {  	[dreg:$0x2] =	wrdreg s25  }
0x27: {  	[dreg:$0x3] =	wrdreg s2  }
0x28: {  	[dreg:$0x4] =	wrdreg $0x9  }
0x29: {  	_ =	task.clear_ibuf [dreg:s7], $0x5FFFF;
	_ =	strace $0x90000049  }
0x2a: {  	s29 =	simm.s32 $0x9;
	_ =	strace $0x8000004B  }
0x2b: {  	_ =	swait.ge [sflag:s29], $0x1  }
0x2c: {  	[sflag:s29] =	ssyncadd.s32 $0xFFFFFFFF  }
0x2d: {  	_ =	strace $0x9000004B  }
0x2e: {  	_ =	sfence  }
0x2f: {  	s30 =	sld [smem:$0x0];
	_ =	sdelay $0x2  }
0x30: {  	s31 =	sshll.u32 s1, $0xD;
	s1 =	sshrl.u32 s1, $0x2  }
0x31: {  	s3 =	sand.u32 $0x4000, s31;
	s1 =	sadd.s32 s1, s30  }
0x32: {  	s0 =	sor.u32 s3, s0;
	s1 =	sshll.u32 s1, $0x11  }
0x33: {  	s0 =	sor.u32 s1, s0  }
0x34: {  	s0 =	sadd.s32 $0x8F2B, s0  }
0x35: {  	[sflag:s0] =	ssyncadd.remote.s32 $0x1  }
0x36: {  	_ =	sfence.sel $0xFFFF  }
0x37: {  	[dreg:$0x0] =	wrdreg $0xFFFFFFFF;
	(pc) =	sbr.abs _section_cstart, $3  }
0x38: {  	[dreg:$0x1] =	wrdreg $0xFFFFFFFF  }
0x39: {  	_ =	task.clear_ibuf [dreg:s7], $0x2FFFF;
	_ =	strace $0x9FFFFFFF  }
0x3a: {  	(tm) =	ssettm $0x7FFFFFFF  }
0x3b: {  	_ =	shalt  }
tec
execute0_lowered:
.L_overlay_start_1:
0x0: {  	(tag) =	ssettag $0x1  }
0x1: {  	s0 =	srdreg.scid  }
0x2: {  	s1 =	sshll.u32 s0, $0x4  }
0x3: {  	s0 =	stileid.u32;
	s1 =	sand.u32 $0x10, s1  }
0x4: {  	s1 =	sor.u32 s0, s1  }
0x5: {  	s6 =	rddreg [dreg:$0x0];
	s4 =	simm.s32 $0x1;
	s2 =	sshll.u32 s1, $0x7  }
0x6: {  	s7 =	simm.s32 $0x2;
	s12 =	simm.s32 $0x0;
	s1 =	ssub.s32 $0x1000, s2  }
0x7: {  	s8 =	simm.s32 $0x8000;
	s13 =	simm.s32 $0x0;
	s3 =	sand.u32 $0xF80, s1  }
0x8: {  	s9 =	simm.s32 $0x0;
	s5 =	sshrl.u32 s1, $0xC;
	p0 =	sne.s32 s3, $0x0  }
.Ltmp0:
0x9: {  	s1 =	rddreg [dreg:$0x2];
	s4 =	simm.s32 @!p0 $0x0;
	(pc) =	sbr.rel .LBB1_1-.Ltmp0, $4  }
0xa: {  	s11 =	simm.s32 $0x0;
	s3 =	rddreg [dreg:$0x1];
	s5 =	sadd.s32 s4, s5  }
0xb: {  	_ =	strace $0x8000004A;
	s4 =	simm.s32 $0x1;
	s5 =	smul.u32 $0x32, s5  }
0xc: {  	s6 =	sadd.s32 $0x320A00, s6;
	s10 =	smov.u32 s2;
	[sflag:s4] =	ssyncpa.u1 $0x0  }
0xd: {  	p0 =	por $0x0, $0x0;
	[sflag:s7] =	ssyncpa.u1 $0x0;
	s7 =	sor.u32 $0x1, s5  }
.LBB1_4:
0xe: {  	s16 =	sshll.u32 s13, $0x3;
	s17 =	sand.u32 $0x78, s13  }
0xf: {  	s30 =	sand.u32 $0x7E00, s13;
	s12 =	sshll.u32 s12, $0xF;
	s16 =	sand.u32 $0xC00, s16  }
0x10: {  	[tilespmem:s15+$0x810 ss:$0x81] =	vst.msk $0xffff, v2;
	s31 =	sand.u32 $0x7, s13;
	s16 =	sor.u32 s17, s16;
	s17 =	sadd.s32 s3, s30  }
0x11: {  	[tilespmem:s15+$0x1020 ss:$0x81] =	vst.msk $0xffff, v0;
	s13 =	sshll.u32 s31, $0x12;
	s12 =	sadd.s32 s12, s17;
	s16 =	sshrl.u32 s16, $0x3  }
0x12: {  	[tilespmem:s15+$0x0 ss:$0x81] =	vst.msk $0xffff, v1;
	s13 =	sor.u32 $0x400, s13;
	s12 =	sadd.s32 s16, s12  }
0x13: {  	[hbm4b:s12+s13] =	stream.strided.scatter [tilespmem:s14], [sflag:$0x2], $0x2000, s8, s13, $0x20;
	[tilespmem:$0x8080] =	vst v63  }
.LBB1_5:
0x14: {  	s14 =	sadd.s32 $0x1, s9  }
0x15: {  	s12 =	sadd.s32 $0x1000, s10;
	s16 =	smov.u32 s10;
	p2 =	sgt.s32 s14, $0x31  }
0x16: {  	s16 =	smov.u32 @p2 s12  }
0x17: {  	s14 =	simm.s32 @p2 $0x0;
	p2 =	sgt.s32 s16, $0xFFF  }
0x18: {  	s16 =	smov.u32 @p2 s2;
	p2 =	sne.s32 s11, s7  }
.Ltmp1:
0x19: {  	p1 =	slt.u32 s11, $0x2;
	(pc) =	sbr.rel @!p2 .LBB1_6-.Ltmp1, $4  }
0x1a: {  	s15 =	simm.s32 @!p1 $0x2  }
0x1b: {  	s13 =	smov.u32 s10;
	p0 =	por !p0, !p0;
	_ =	swait.ge @!p1 [sflag:s15], $0x2000  }
0x1c: {  	s12 =	smov.u32 s9;
	[sflag:s15] =	ssyncset.done @!p1 $0x0;
	s9 =	smov.u32 s14  }
0x1d: {  	s11 =	sadd.s32 $0x1, s11;
	[sflag:s15] =	ssyncadd.s32 @!p1 $0xFFFFE000;
	s10 =	smov.u32 s16  }
.LBB1_1:
0x1e: {  	p1 =	sge.u32 s11, s5  }
0x1f: {  	s14 =	sand.u32 @!p1 $0x1FFFFFF, s9  }
0x20: {  	s15 =	smulhi.u32 @!p1 $0x4924925, s14;
	_ =	sdelay $0x1  }
0x21: {  	s15 =	smul.u32 @!p1 $0x38, s15  }
0x22: {  	s16 =	sxor.u32 @!p1 $0xFFFFFFFF, s11;
	s17 =	smul.u32 @!p1 $0x380, s10  }
0x23: {  	s31 =	sadd.s32 $0xFFFFFFFF, s11;
	s16 =	sshll.u32 @!p1 s16, $0xD;
	s14 =	ssub.s32 @!p1 s14, s15  }
0x24: {  	s15 =	sand.u32 @!p1 $0x2000, s16;
	s16 =	sadd.s32 @!p1 s6, s17;
	s14 =	sshll.u32 @!p1 s14, $0x4  }
0x25: {  	s17 =	simm.s32 @!p1 $0x1C00;
	s14 =	sadd.s32 @!p1 s14, s16;
	s16 =	simm.s32 @!p1 $0x40  }
0x26: {  	[tilespmem:s15], [sflag:$0x1] =	stream.strided.gather @!p1 [hbm4b:s14+s16], $0x2000, s17, s16, $0x38;
	[tilespmem:$0x8080] =	vst v63  }
0x27: {  	p1 =	sge.u32 s31, s5  }
.Ltmp2:
0x28: {  	_ = 	snop;
	(pc) =	sbr.rel @p1 .LBB1_5-.Ltmp2, $1  }
0x29: {  	_ =	sdelay $0x3  }
0x2a: {  	s14 =	simm.s32 $0x1  }
0x2b: {  	_ =	swait.ge [sflag:s4], $0x2000;
	s14 =	simm.s32 @!p0 $0x0  }
0x2c: {  	[sflag:s4] =	ssyncset.done $0x0;
	s15 =	sshll.u32 s14, $0xD  }
0x2d: {  	[sflag:s4] =	ssyncadd.s32 $0xFFFFE000;
	s18 =	sor.u32 $0x20, s15  }
0x2e: {  	s14 =	smul.u32 $0x8100, s14;
	v3 =	vld [tilespmem:s18+$0x10]  }
0x2f: {  	s30 =	sand.u32 $0x1, s11;
	v2 =	vld [tilespmem:s18+$0xFFFFFFF0]  }
0x30: {  	s15 =	smul.u32 $0x8100, s30;
	s14 =	sshrl.u32 s14, $0x2;
	v0 =	vld [tilespmem:s18+$0x0]  }
0x31: {  	v1 =	vld [tilespmem:s18+$0xFFFFFFE0];
	s16 =	sor.u32 $0x4000, s14  }
0x32: {  	s31 =	sshrl.u32 s15, $0x2;
	s15 =	sadd.s32 $0x0, s16  }
0x33: {  	s17 =	simm.s32 $0x4;
	s18 =	sadd.s32 $0x40, s18;
	s14 =	sor.u32 $0x4000, s31;
	[tilespmem:s15+$0x1830 ss:$0x81] =	vst.msk $0xffff, v3  }
.LBB1_3:
0x34: {  	v3 =	vld [tilespmem:s18+$0x10];
	p1 =	sne.s32 s17, $0x1FC;
	[tilespmem:s15+$0x810 ss:$0x81] =	vst.msk $0xffff, v2;
	s19 =	smov.u32 s17;
	s17 =	sadd.s32 $0x4, s17  }
.Ltmp3:
0x35: {  	v2 =	vld [tilespmem:s18+$0xFFFFFFF0];
	[tilespmem:s15+$0x1020 ss:$0x81] =	vst.msk $0xffff, v0;
	(pc) =	sbr.rel @p1 .LBB1_3-.Ltmp3, $4  }
0x36: {  	v0 =	vld [tilespmem:s18+$0x0];
	[tilespmem:s15+$0x0 ss:$0x81] =	vst.msk $0xffff, v1  }
0x37: {  	s15 =	sshra.s32 s19, $0x2;
	v1 =	vld [tilespmem:s18+$0xFFFFFFE0]  }
0x38: {  	s15 =	sadd.s32 s15, s16  }
0x39: {  	s18 =	sadd.s32 $0x40, s18;
	[tilespmem:s15+$0x1830 ss:$0x81] =	vst.msk $0xffff, v3  }
.Ltmp4:
0x3a: {  	_ = 	snop;
	(pc) =	sbr.rel .LBB1_4-.Ltmp4, $1  }
0x3b: {  	_ =	sdelay $0x3  }
.LBB1_6:
0x3c: {  	_ =	sfence.sel $0x180000  }
0x3d: {  	s2 =	simm.s32 $0x1;
	[bflag:$0x0] =	sbarrier.arrive $0xFFFF  }
0x3e: {  	s31 =	simm.s32 $0x2;
	[sflag:s2] =	ssyncpa.u1 $0x1  }
0x3f: {  	[sflag:s31] =	ssyncpa.u1 $0x1  }
0x40: {  	p0 =	sne.s32 s0, $0x0;
	_ =	strace $0x9000004A  }
0x41: {  	s0 =	sadd.s32 @!p0 $0x100000, s1;
	[bflag:$0x2] =	sbarrier.arrive $0xFFFF  }
0x42: {  	[sflag:s0] =	ssyncadd.tile.s32 @!p0 $0x1;
	_ =	shalt  }
.Lfunc_end1:
_tile_overlayer_lowered:
.L_overlay_start_2:
0x43: {  	(tag) =	ssettag $0x2  }
0x44: {  	s0 =	rddreg [dreg:$0x0];
	s2 =	stileid.u32  }
0x45: {  	s1 =	rddreg [dreg:$0x1];
	p0 =	sne.s32 s2, $0x0  }
0x46: {  	s3 =	rddreg [dreg:$0x2];
	[bflag:$0x3] =	sbarrier.arrive $0xFFFF;
	s2 =	simm.s32 @!p0 $0x1C01  }
0x47: {  	[timem:s3], [sflag:s2] =	dma.local @!p0 [hbm:s0], s1  }
0x48: {  	s0 =	simm.s32 @!p0 $0x1  }
0x49: {  	_ =	swait.ge @!p0 [sflag:s0], s1  }
0x4a: {  	s1 =	ssub.s32 @!p0 $0x0, s1;
	[sflag:s0] =	ssyncset.done @!p0 $0x0  }
0x4b: {  	[sflag:s0] =	ssyncadd.s32 @!p0 s1  }
0x4c: {  	[bflag:$0x3] =	sbarrier.arrive $0xFFFF  }
0x4d: {  	_ =	shalt  }

</sc_bundles>
